<compile_context>
chip_gen: v7x
topology: tpu7x:2x2x1
jax: 0.10.2.dev20260603
libtpu: 0.0.44.dev20260713+nightly
codegen_flags: <defaults>
</compile_context>

<pallas_src>
import functools

import jax
import jax.numpy as jnp
from jax import lax
from jax.experimental import pallas as pl
from jax.experimental.pallas import tpu as pltpu
from jax.experimental.pallas import tpu_sc as plsc

_BBLK = 512
_VBLK = 4000


def _sc_gather(table, idx, out_dtype=jnp.float32):
    V, D = table.shape
    B = idx.shape[0]
    info = plsc.get_sparse_core_info()
    NC, NS = info.num_cores, info.num_subcores
    NW = NC * NS
    assert B % (8 * NW) == 0, (B, NW)
    b_per_w = B // NW
    mesh = plsc.VectorSubcoreMesh(core_axis_name="c", subcore_axis_name="s")

    ch = 128 if b_per_w % 128 == 0 else b_per_w
    assert b_per_w % ch == 0 and ch <= 128, (b_per_w, ch)
    nch = b_per_w // ch

    @functools.partial(
        pl.kernel, mesh=mesh,
        compiler_params=pltpu.CompilerParams(use_tc_tiling_on_sc=False),
        out_type=jax.ShapeDtypeStruct((B, D), out_dtype),
        scratch_types=[
            pltpu.VMEM((b_per_w,), jnp.int32),
            pltpu.VMEM((b_per_w, D), out_dtype),
            pltpu.SemaphoreType.DMA,
        ],
    )
    def k(table_hbm, idx_hbm, out_hbm, idx_v, rows_v, sem):
        wid = lax.axis_index("s") * NC + lax.axis_index("c")
        base = wid * b_per_w
        pltpu.sync_copy(idx_hbm.at[pl.ds(base, b_per_w)], idx_v)
        copies = [
            pltpu.async_copy(table_hbm.at[idx_v.at[pl.ds(j * ch, ch)]],
                             rows_v.at[pl.ds(j * ch, ch)], sem)
            for j in range(nch)
        ]
        for cpy in copies:
            cpy.wait()
        pltpu.sync_copy(rows_v, out_hbm.at[pl.ds(base, b_per_w)])

    return k(table, idx)


def _sc_gather2(table, idx_a, idx_b):
    V, D = table.shape
    BA, BB = idx_a.shape[0], idx_b.shape[0]
    info = plsc.get_sparse_core_info()
    NC, NS = info.num_cores, info.num_subcores
    NW = NC * NS
    assert BA % (8 * NW) == 0 and BB % (8 * NW) == 0, (BA, BB, NW)
    a_per_w, b_per_w = BA // NW, BB // NW
    cha = 128 if a_per_w % 128 == 0 else a_per_w
    chb = 128 if b_per_w % 128 == 0 else b_per_w
    assert cha <= 128 and chb <= 128
    mesh = plsc.VectorSubcoreMesh(core_axis_name="c", subcore_axis_name="s")

    @functools.partial(
        pl.kernel, mesh=mesh,
        compiler_params=pltpu.CompilerParams(use_tc_tiling_on_sc=False),
        out_type=(jax.ShapeDtypeStruct((BA, D), jnp.float32),
                  jax.ShapeDtypeStruct((BB, D), jnp.float32)),
        scratch_types=[
            pltpu.VMEM((a_per_w,), jnp.int32),
            pltpu.VMEM((b_per_w,), jnp.int32),
            pltpu.VMEM((a_per_w, D), jnp.float32),
            pltpu.VMEM((b_per_w, D), jnp.float32),
            pltpu.SemaphoreType.DMA,
        ],
    )
    def k(table_hbm, ia_hbm, ib_hbm, oa_hbm, ob_hbm,
          ia_v, ib_v, ra_v, rb_v, sem):
        wid = lax.axis_index("s") * NC + lax.axis_index("c")
        abase, bbase = wid * a_per_w, wid * b_per_w
        pltpu.sync_copy(ia_hbm.at[pl.ds(abase, a_per_w)], ia_v)
        pltpu.sync_copy(ib_hbm.at[pl.ds(bbase, b_per_w)], ib_v)
        copies = [
            pltpu.async_copy(table_hbm.at[ia_v.at[pl.ds(j * cha, cha)]],
                             ra_v.at[pl.ds(j * cha, cha)], sem)
            for j in range(a_per_w // cha)
        ] + [
            pltpu.async_copy(table_hbm.at[ib_v.at[pl.ds(j * chb, chb)]],
                             rb_v.at[pl.ds(j * chb, chb)], sem)
            for j in range(b_per_w // chb)
        ]
        for cpy in copies:
            cpy.wait()
        pltpu.sync_copy(ra_v, oa_hbm.at[pl.ds(abase, a_per_w)])
        pltpu.sync_copy(rb_v, ob_hbm.at[pl.ds(bbase, b_per_w)])

    return k(table, idx_a, idx_b)


def _xdy_body(v_ref, Wv1_ref, bv1_ref, Wv2_ref, bv2_ref, out_ref):
    v = v_ref[...]
    t = jnp.maximum(
        jax.lax.dot_general(v, Wv1_ref[...], (((1,), (0,)), ((), ())),
                            preferred_element_type=jnp.float32) + bv1_ref[...], 0.0)
    out_ref[...] = jax.lax.dot_general(
        t, Wv2_ref[...], (((1,), (0,)), ((), ())),
        preferred_element_type=jnp.float32) + bv2_ref[...]


def _retrieve_body(e4_ref, e3_ref, e2_ref, e1_ref, e0_ref, W1_ref, b1_ref,
                   W2_ref, b2_ref, nT_ref, self_ref, out_ref):
    Bblk = e0_ref.shape[0]
    C = nT_ref.shape[1]
    concat = jnp.concatenate(
        [e4_ref[...], e3_ref[...], e2_ref[...], e1_ref[...], e0_ref[...]], axis=1)
    H = out_ref.shape[1]
    t = jnp.maximum(
        jax.lax.dot_general(concat, W1_ref[...], (((1,), (0,)), ((), ())),
                            preferred_element_type=jnp.float32) + b1_ref[...], 0.0)
    h = jax.lax.dot_general(t, W2_ref[...], (((1,), (0,)), ((), ())),
                            preferred_element_type=jnp.float32) + b2_ref[...]
    nT = nT_ref[...]
    h2 = jnp.sum(h * h, axis=1, keepdims=True)
    n2 = jnp.sum(nT * nT, axis=0, keepdims=True)
    hn = jax.lax.dot_general(h, nT, (((1,), (0,)), ((), ())),
                             preferred_element_type=jnp.float32)
    d2 = (h2 + n2) - 2.0 * hn
    dist = jnp.sqrt(jnp.maximum(d2, 0.0) + 1e-12)
    score = jnp.exp(-dist * 0.02)

    iota = jax.lax.broadcasted_iota(jnp.int32, (Bblk, C), 1)
    lo = jnp.min(score, axis=1, keepdims=True)
    hi = jnp.max(score, axis=1, keepdims=True)
    scale = (float(2 ** 20 - 2)) / jnp.maximum(hi - lo, 1e-20)
    qv = ((score - lo) * scale).astype(jnp.int32)
    key0 = qv * C + (C - 1 - iota)
    def row_max(a):
        f = a[:, 0:128]
        for j in range(1, C // 128):
            f = jnp.maximum(f, a[:, j * 128:(j + 1) * 128])
        return jnp.max(f, axis=1, keepdims=True)

    m = row_max(key0)
    for _ in range(9):
        m = row_max(jnp.where(key0 < m, key0, -1))
    M = key0 >= m

    w = jnp.where(M, jnp.exp(score - 1.0), 0.0)
    Z = jnp.sum(w, axis=1, keepdims=True) + 1.0
    outp = jax.lax.dot_general(w, nT, (((1,), (1,)), ((), ())),
                               preferred_element_type=jnp.float32)
    out_ref[...] = ((outp + self_ref[...]) / Z)[:, :H]


def kernel(x, y, vecs_use, W1, b1, W2, b2, Wv1, bv1, Wv2, bv2, candidate_number):
    S, U = x.shape
    V, E = vecs_use.shape
    H = W2.shape[1]
    C = candidate_number.shape[0]
    B = S * U
    HP = 16
    xv = x.reshape(-1)

    EP = 32
    vecs_p = jnp.pad(vecs_use, ((0, 0), (0, EP - E)))
    x_emb = _sc_gather(vecs_p, xv)

    Wv2p = jnp.pad(Wv2, ((0, 0), (0, HP - H)))
    bv2p = jnp.pad(bv2, (0, HP - H))[None, :]
    x_dy = pl.pallas_call(
        _xdy_body,
        grid=(V // _VBLK,),
        in_specs=[
            pl.BlockSpec((_VBLK, E), lambda i: (i, 0)),
            pl.BlockSpec((E, E), lambda i: (0, 0)),
            pl.BlockSpec((1, E), lambda i: (0, 0)),
            pl.BlockSpec((E, HP), lambda i: (0, 0)),
            pl.BlockSpec((1, HP), lambda i: (0, 0)),
        ],
        out_specs=pl.BlockSpec((_VBLK, HP), lambda i: (i, 0)),
        out_shape=jax.ShapeDtypeStruct((V, HP), jnp.float32),
    )(vecs_use, Wv1, bv1[None, :], Wv2p, bv2p)

    neigh, self_emb = _sc_gather2(x_dy, candidate_number.astype(jnp.int32), xv)
    neighT = neigh.T

    W2p = jnp.pad(W2, ((0, 0), (0, HP - H)))
    b2p = jnp.pad(b2, (0, HP - H))[None, :]
    W1p = jnp.pad(W1.reshape(5, E, E), ((0, 0), (0, EP - E), (0, 0))).reshape(5 * EP, E)

    nblk = U // _BBLK

    def emb_spec(n):
        def imap(i):
            s = i // nblk
            return (jnp.where(s < n, s, s - n) * nblk + i % nblk, 0)
        return pl.BlockSpec((_BBLK, EP), imap)

    out = pl.pallas_call(
        _retrieve_body,
        grid=(B // _BBLK,),
        in_specs=[
            emb_spec(4), emb_spec(3), emb_spec(2), emb_spec(1), emb_spec(0),
            pl.BlockSpec((5 * EP, E), lambda i: (0, 0)),
            pl.BlockSpec((1, E), lambda i: (0, 0)),
            pl.BlockSpec((E, HP), lambda i: (0, 0)),
            pl.BlockSpec((1, HP), lambda i: (0, 0)),
            pl.BlockSpec((HP, C), lambda i: (0, 0)),
            pl.BlockSpec((_BBLK, HP), lambda i: (i, 0)),
        ],
        out_specs=pl.BlockSpec((_BBLK, H), lambda i: (i, 0)),
        out_shape=jax.ShapeDtypeStruct((B, H), jnp.float32),
    )(x_emb, x_emb, x_emb, x_emb, x_emb, W1p, b1[None, :], W2p, b2p,
      neighT, self_emb)
    return out

# --- scband reference (transcript-rebuilt; emitter-appended) ---
"""Pipeline reference for scband-dy-graph-55937654063571 (READ-ONLY COPY).

The authoritative reference and input builder live on the scoring server;
editing this copy changes nothing except your own understanding.
"""

import jax, jax.numpy as jnp
import numpy as np

S, U, V, C, E, H = 20, 1024, 100000, 2048, 20, 10


def setup_inputs(seed: int = 0):
    key = jax.random.key(seed)
    ks = jax.random.split(key, 10)
    x = jax.random.randint(ks[0], (S, U), 0, V)
    y = jax.random.randint(ks[1], (S, U), 0, V)
    vecs_use = jax.random.normal(ks[2], (V, E), jnp.float32) * 0.1
    W1 = jax.random.normal(ks[3], (5 * E, E), jnp.float32) * 0.05
    b1 = jnp.zeros((E,), jnp.float32)
    W2 = jax.random.normal(ks[4], (E, H), jnp.float32) * 0.05
    b2 = jnp.zeros((H,), jnp.float32)
    Wv1 = jax.random.normal(ks[5], (E, E), jnp.float32) * 0.05
    bv1 = jnp.zeros((E,), jnp.float32)
    Wv2 = jax.random.normal(ks[6], (E, H), jnp.float32) * 0.05
    bv2 = jnp.zeros((H,), jnp.float32)
    candidate_number = jax.random.randint(ks[7], (C,), 0, V)
    return {"x": x, "y": y, "vecs_use": vecs_use, "W1": W1, "b1": b1, "W2": W2, "b2": b2,
            "Wv1": Wv1, "bv1": bv1, "Wv2": Wv2, "bv2": bv2, "candidate_number": candidate_number}


def reference(x, y, vecs_use, W1, b1, W2, b2, Wv1, bv1, Wv2, bv2, candidate_number):
    seq_len, user_len = x.shape
    xv = x.reshape(-1)
    # embedding lookup (memory-bound gather from the location table)
    x_emb = jnp.take(vecs_use, xv, axis=0).reshape(seq_len, user_len, -1)

    def shift(n):
        return jnp.concatenate([x_emb[0:n], x_emb[0:seq_len - n]], axis=0).reshape(-1, E)

    concat = jnp.concatenate([shift(4), shift(3), shift(2), shift(1), x_emb.reshape(-1, E)], axis=-1)
    # seq_embedding MLP -> query embeddings [B, H]
    h = jnp.dot(jax.nn.relu(jnp.dot(concat, W1) + b1), W2) + b2
    # vec_embedding MLP over the whole table (prepare_train / x_embedding_dy)
    x_dy = jnp.dot(jax.nn.relu(jnp.dot(vecs_use, Wv1) + bv1), Wv2) + bv2
    # candidate (neighbor) key embeddings
    neigh = jnp.take(x_dy, candidate_number, axis=0)
    # pairwise L2 distance between queries and candidates (no [B,C,H] materialization)
    d2 = jnp.sum(h * h, axis=-1, keepdims=True) + jnp.sum(neigh * neigh, axis=-1)[None, :] - 2.0 * jnp.dot(h, neigh.T)
    dist = jnp.sqrt(jnp.maximum(d2, 0.0) + 1e-12)
    score = jnp.exp(-dist * 0.02)
    values, indices = jax.lax.top_k(score, 10)
    idx_n = jnp.take(candidate_number, indices.reshape(-1), axis=0)
    emb_neigh = jnp.take(x_dy, idx_n, axis=0).reshape(values.shape[0], values.shape[1], H)
    self_emb = jnp.take(x_dy, xv, axis=0)[:, None, :]
    emb = jnp.concatenate([emb_neigh, self_emb], axis=1)
    vals = jnp.concatenate([values, jnp.ones((values.shape[0], 1), values.dtype)], axis=-1)
    sc = jax.nn.softmax(vals, axis=-1)
    return jnp.sum(emb * sc[..., None], axis=1)

if __name__ == "__main__":
    import jax
    _d = setup_inputs()
    print(jax.jit(kernel)(*tuple(_d.values())))

</pallas_src>

<mosaic_0001>
#map = affine_map<(d0, d1) -> (0, 0)>
#map1 = affine_map<(d0, d1) -> (0)>
module attributes {stable_mosaic.version = 14 : i64} {
  func.func @k(%arg0: i32, %arg1: i32, %arg2: memref<100000x16xf32, #tpu.memory_space<hbm>>, %arg3: memref<2048xi32, #tpu.memory_space<hbm>>, %arg4: memref<20480xi32, #tpu.memory_space<hbm>>, %arg5: memref<2048x16xf32, #tpu.memory_space<hbm>>, %arg6: memref<20480x16xf32, #tpu.memory_space<hbm>>, %arg7: memref<64xi32, #tpu.memory_space<vmem>>, %arg8: memref<640xi32, #tpu.memory_space<vmem>>, %arg9: memref<64x16xf32, #tpu.memory_space<vmem>>, %arg10: memref<640x16xf32, #tpu.memory_space<vmem>>, %arg11: memref<!tpu.dma_semaphore, #tpu.memory_space<semaphore_mem>>) attributes {dimension_semantics = [#tpu.dimension_semantics<core_parallel>, #tpu.dimension_semantics<subcore_parallel>], iteration_bounds = array<i64: 2, 16>, scalar_prefetch = 0 : i64, scratch_operands = 5 : i64, tpu.core_type = #tpu.core_type<sc_vector_subcore>, window_params = [{transform_indices = #map}, {transform_indices = #map1}, {transform_indices = #map1}, {transform_indices = #map}, {transform_indices = #map}]} {
    %mul3A = arith.constant 2 : i32
    %mul3A_0 = arith.muli %arg1, %mul3A : i32
    %add3A = arith.addi %mul3A_0, %arg0 : i32
    %mul3A_1 = arith.constant 64 : i32
    %mul3A_2 = arith.muli %add3A, %mul3A_1 : i32
    %mul3A_3 = arith.constant 640 : i32
    %mul3A_4 = arith.muli %add3A, %mul3A_3 : i32
    "tpu.region"() ({
      %run_scoped3A = tpu.sem_alloc : memref<!tpu.dma_semaphore, #tpu.memory_space<semaphore_mem>>
      %dma_start3A_99 = tpu.memref_slice %arg3[%mul3A_2] : memref<2048xi32, #tpu.memory_space<hbm>> -> memref<64xi32, #tpu.memory_space<hbm>>
      %dma_start3A_100 = tpu.memref_slice %arg3[%mul3A_2] : memref<2048xi32, #tpu.memory_space<hbm>> -> memref<64xi32, #tpu.memory_space<hbm>>
      tpu.enqueue_dma source(%dma_start3A_100 : memref<64xi32, #tpu.memory_space<hbm>>) target(%arg7 : memref<64xi32, #tpu.memory_space<vmem>>) target_semaphore(%run_scoped3A : memref<!tpu.dma_semaphore, #tpu.memory_space<semaphore_mem>>)
      %dma_wait3A_101 = tpu.memref_slice %arg3[%mul3A_2] : memref<2048xi32, #tpu.memory_space<hbm>> -> memref<64xi32, #tpu.memory_space<hbm>>
      %dma_wait3A_102 = tpu.memref_slice %arg3[%mul3A_2] : memref<2048xi32, #tpu.memory_space<hbm>> -> memref<64xi32, #tpu.memory_space<hbm>>
      tpu.wait_dma2 semaphore(%run_scoped3A : memref<!tpu.dma_semaphore, #tpu.memory_space<semaphore_mem>>) src(%dma_wait3A_102 : memref<64xi32, #tpu.memory_space<hbm>>) dst(%arg7 : memref<64xi32, #tpu.memory_space<vmem>>)
      tpu.yield
    }) : () -> ()
    "tpu.region"() ({
      %run_scoped3A = tpu.sem_alloc : memref<!tpu.dma_semaphore, #tpu.memory_space<semaphore_mem>>
      %dma_start3A_99 = tpu.memref_slice %arg4[%mul3A_4] : memref<20480xi32, #tpu.memory_space<hbm>> -> memref<640xi32, #tpu.memory_space<hbm>>
      %dma_start3A_100 = tpu.memref_slice %arg4[%mul3A_4] : memref<20480xi32, #tpu.memory_space<hbm>> -> memref<640xi32, #tpu.memory_space<hbm>>
      tpu.enqueue_dma source(%dma_start3A_100 : memref<640xi32, #tpu.memory_space<hbm>>) target(%arg8 : memref<640xi32, #tpu.memory_space<vmem>>) target_semaphore(%run_scoped3A : memref<!tpu.dma_semaphore, #tpu.memory_space<semaphore_mem>>)
      %dma_wait3A_101 = tpu.memref_slice %arg4[%mul3A_4] : memref<20480xi32, #tpu.memory_space<hbm>> -> memref<640xi32, #tpu.memory_space<hbm>>
      %dma_wait3A_102 = tpu.memref_slice %arg4[%mul3A_4] : memref<20480xi32, #tpu.memory_space<hbm>> -> memref<640xi32, #tpu.memory_space<hbm>>
      tpu.wait_dma2 semaphore(%run_scoped3A : memref<!tpu.dma_semaphore, #tpu.memory_space<semaphore_mem>>) src(%dma_wait3A_102 : memref<640xi32, #tpu.memory_space<hbm>>) dst(%arg8 : memref<640xi32, #tpu.memory_space<vmem>>)
      tpu.yield
    }) : () -> ()
    %dma_start3A = arith.constant 0 : i32
    %dma_start3A_5 = arith.constant 0 : i32
    %dma_start3A_6 = tpu.memref_slice %arg9[%dma_start3A, %dma_start3A_5] : memref<64x16xf32, #tpu.memory_space<vmem>> -> memref<64x16xf32, #tpu.memory_space<vmem>>
    %dma_start3A_7 = arith.constant 0 : i32
    %dma_start3A_8 = tpu.memref_slice %arg7[%dma_start3A_7] : memref<64xi32, #tpu.memory_space<vmem>> -> memref<64xi32, #tpu.memory_space<vmem>>
    %dma_start3A_9 = arith.constant 0 : i32
    %dma_start3A_10 = arith.constant 0 : i32
    %dma_start3A_11 = tpu.memref_slice %arg2[%dma_start3A_9, %dma_start3A_10] : memref<100000x16xf32, #tpu.memory_space<hbm>> -> memref<100000x16xf32, #tpu.memory_space<hbm>>
    tpu.enqueue_indirect_dma source(%dma_start3A_11 : memref<100000x16xf32, #tpu.memory_space<hbm>>) target(%dma_start3A_6 : memref<64x16xf32, #tpu.memory_space<vmem>>) offsets(%dma_start3A_8 : memref<64xi32, #tpu.memory_space<vmem>>) semaphore(%arg11 : memref<!tpu.dma_semaphore, #tpu.memory_space<semaphore_mem>>)
    %dma_start3A_12 = arith.constant 0 : i32
    %dma_start3A_13 = arith.constant 0 : i32
    %dma_start3A_14 = tpu.memref_slice %arg10[%dma_start3A_12, %dma_start3A_13] : memref<640x16xf32, #tpu.memory_space<vmem>> -> memref<128x16xf32, #tpu.memory_space<vmem>>
    %dma_start3A_15 = arith.constant 0 : i32
    %dma_start3A_16 = tpu.memref_slice %arg8[%dma_start3A_15] : memref<640xi32, #tpu.memory_space<vmem>> -> memref<128xi32, #tpu.memory_space<vmem>>
    %dma_start3A_17 = arith.constant 0 : i32
    %dma_start3A_18 = arith.constant 0 : i32
    %dma_start3A_19 = tpu.memref_slice %arg2[%dma_start3A_17, %dma_start3A_18] : memref<100000x16xf32, #tpu.memory_space<hbm>> -> memref<100000x16xf32, #tpu.memory_space<hbm>>
    tpu.enqueue_indirect_dma source(%dma_start3A_19 : memref<100000x16xf32, #tpu.memory_space<hbm>>) target(%dma_start3A_14 : memref<128x16xf32, #tpu.memory_space<vmem>>) offsets(%dma_start3A_16 : memref<128xi32, #tpu.memory_space<vmem>>) semaphore(%arg11 : memref<!tpu.dma_semaphore, #tpu.memory_space<semaphore_mem>>)
    %dma_start3A_20 = arith.constant 128 : i32
    %dma_start3A_21 = arith.constant 0 : i32
    %dma_start3A_22 = tpu.memref_slice %arg10[%dma_start3A_20, %dma_start3A_21] : memref<640x16xf32, #tpu.memory_space<vmem>> -> memref<128x16xf32, #tpu.memory_space<vmem>>
    %dma_start3A_23 = arith.constant 128 : i32
    %dma_start3A_24 = tpu.memref_slice %arg8[%dma_start3A_23] : memref<640xi32, #tpu.memory_space<vmem>> -> memref<128xi32, #tpu.memory_space<vmem>>
    %dma_start3A_25 = arith.constant 0 : i32
    %dma_start3A_26 = arith.constant 0 : i32
    %dma_start3A_27 = tpu.memref_slice %arg2[%dma_start3A_25, %dma_start3A_26] : memref<100000x16xf32, #tpu.memory_space<hbm>> -> memref<100000x16xf32, #tpu.memory_space<hbm>>
    tpu.enqueue_indirect_dma source(%dma_start3A_27 : memref<100000x16xf32, #tpu.memory_space<hbm>>) target(%dma_start3A_22 : memref<128x16xf32, #tpu.memory_space<vmem>>) offsets(%dma_start3A_24 : memref<128xi32, #tpu.memory_space<vmem>>) semaphore(%arg11 : memref<!tpu.dma_semaphore, #tpu.memory_space<semaphore_mem>>)
    %dma_start3A_28 = arith.constant 256 : i32
    %dma_start3A_29 = arith.constant 0 : i32
    %dma_start3A_30 = tpu.memref_slice %arg10[%dma_start3A_28, %dma_start3A_29] : memref<640x16xf32, #tpu.memory_space<vmem>> -> memref<128x16xf32, #tpu.memory_space<vmem>>
    %dma_start3A_31 = arith.constant 256 : i32
    %dma_start3A_32 = tpu.memref_slice %arg8[%dma_start3A_31] : memref<640xi32, #tpu.memory_space<vmem>> -> memref<128xi32, #tpu.memory_space<vmem>>
    %dma_start3A_33 = arith.constant 0 : i32
    %dma_start3A_34 = arith.constant 0 : i32
    %dma_start3A_35 = tpu.memref_slice %arg2[%dma_start3A_33, %dma_start3A_34] : memref<100000x16xf32, #tpu.memory_space<hbm>> -> memref<100000x16xf32, #tpu.memory_space<hbm>>
    tpu.enqueue_indirect_dma source(%dma_start3A_35 : memref<100000x16xf32, #tpu.memory_space<hbm>>) target(%dma_start3A_30 : memref<128x16xf32, #tpu.memory_space<vmem>>) offsets(%dma_start3A_32 : memref<128xi32, #tpu.memory_space<vmem>>) semaphore(%arg11 : memref<!tpu.dma_semaphore, #tpu.memory_space<semaphore_mem>>)
    %dma_start3A_36 = arith.constant 384 : i32
    %dma_start3A_37 = arith.constant 0 : i32
    %dma_start3A_38 = tpu.memref_slice %arg10[%dma_start3A_36, %dma_start3A_37] : memref<640x16xf32, #tpu.memory_space<vmem>> -> memref<128x16xf32, #tpu.memory_space<vmem>>
    %dma_start3A_39 = arith.constant 384 : i32
    %dma_start3A_40 = tpu.memref_slice %arg8[%dma_start3A_39] : memref<640xi32, #tpu.memory_space<vmem>> -> memref<128xi32, #tpu.memory_space<vmem>>
    %dma_start3A_41 = arith.constant 0 : i32
    %dma_start3A_42 = arith.constant 0 : i32
    %dma_start3A_43 = tpu.memref_slice %arg2[%dma_start3A_41, %dma_start3A_42] : memref<100000x16xf32, #tpu.memory_space<hbm>> -> memref<100000x16xf32, #tpu.memory_space<hbm>>
    tpu.enqueue_indirect_dma source(%dma_start3A_43 : memref<100000x16xf32, #tpu.memory_space<hbm>>) target(%dma_start3A_38 : memref<128x16xf32, #tpu.memory_space<vmem>>) offsets(%dma_start3A_40 : memref<128xi32, #tpu.memory_space<vmem>>) semaphore(%arg11 : memref<!tpu.dma_semaphore, #tpu.memory_space<semaphore_mem>>)
    %dma_start3A_44 = arith.constant 512 : i32
    %dma_start3A_45 = arith.constant 0 : i32
    %dma_start3A_46 = tpu.memref_slice %arg10[%dma_start3A_44, %dma_start3A_45] : memref<640x16xf32, #tpu.memory_space<vmem>> -> memref<128x16xf32, #tpu.memory_space<vmem>>
    %dma_start3A_47 = arith.constant 512 : i32
    %dma_start3A_48 = tpu.memref_slice %arg8[%dma_start3A_47] : memref<640xi32, #tpu.memory_space<vmem>> -> memref<128xi32, #tpu.memory_space<vmem>>
    %dma_start3A_49 = arith.constant 0 : i32
    %dma_start3A_50 = arith.constant 0 : i32
    %dma_start3A_51 = tpu.memref_slice %arg2[%dma_start3A_49, %dma_start3A_50] : memref<100000x16xf32, #tpu.memory_space<hbm>> -> memref<100000x16xf32, #tpu.memory_space<hbm>>
    tpu.enqueue_indirect_dma source(%dma_start3A_51 : memref<100000x16xf32, #tpu.memory_space<hbm>>) target(%dma_start3A_46 : memref<128x16xf32, #tpu.memory_space<vmem>>) offsets(%dma_start3A_48 : memref<128xi32, #tpu.memory_space<vmem>>) semaphore(%arg11 : memref<!tpu.dma_semaphore, #tpu.memory_space<semaphore_mem>>)
    %dma_wait3A = arith.constant 0 : i32
    %dma_wait3A_52 = arith.constant 0 : i32
    %dma_wait3A_53 = tpu.memref_slice %arg9[%dma_wait3A, %dma_wait3A_52] : memref<64x16xf32, #tpu.memory_space<vmem>> -> memref<64x16xf32, #tpu.memory_space<vmem>>
    %dma_wait3A_54 = arith.constant 0 : i32
    %dma_wait3A_55 = tpu.memref_slice %arg7[%dma_wait3A_54] : memref<64xi32, #tpu.memory_space<vmem>> -> memref<64xi32, #tpu.memory_space<vmem>>
    %dma_wait3A_56 = arith.constant 0 : i32
    %dma_wait3A_57 = arith.constant 0 : i32
    %dma_wait3A_58 = tpu.memref_slice %arg2[%dma_wait3A_56, %dma_wait3A_57] : memref<100000x16xf32, #tpu.memory_space<hbm>> -> memref<100000x16xf32, #tpu.memory_space<hbm>>
    tpu.wait_indirect_dma semaphore(%arg11 : memref<!tpu.dma_semaphore, #tpu.memory_space<semaphore_mem>>) src(%dma_wait3A_58 : memref<100000x16xf32, #tpu.memory_space<hbm>>) dst(%dma_wait3A_53 : memref<64x16xf32, #tpu.memory_space<vmem>>)
    %dma_wait3A_59 = arith.constant 0 : i32
    %dma_wait3A_60 = arith.constant 0 : i32
    %dma_wait3A_61 = tpu.memref_slice %arg10[%dma_wait3A_59, %dma_wait3A_60] : memref<640x16xf32, #tpu.memory_space<vmem>> -> memref<128x16xf32, #tpu.memory_space<vmem>>
    %dma_wait3A_62 = arith.constant 0 : i32
    %dma_wait3A_63 = tpu.memref_slice %arg8[%dma_wait3A_62] : memref<640xi32, #tpu.memory_space<vmem>> -> memref<128xi32, #tpu.memory_space<vmem>>
    %dma_wait3A_64 = arith.constant 0 : i32
    %dma_wait3A_65 = arith.constant 0 : i32
    %dma_wait3A_66 = tpu.memref_slice %arg2[%dma_wait3A_64, %dma_wait3A_65] : memref<100000x16xf32, #tpu.memory_space<hbm>> -> memref<100000x16xf32, #tpu.memory_space<hbm>>
    tpu.wait_indirect_dma semaphore(%arg11 : memref<!tpu.dma_semaphore, #tpu.memory_space<semaphore_mem>>) src(%dma_wait3A_66 : memref<100000x16xf32, #tpu.memory_space<hbm>>) dst(%dma_wait3A_61 : memref<128x16xf32, #tpu.memory_space<vmem>>)
    %dma_wait3A_67 = arith.constant 128 : i32
    %dma_wait3A_68 = arith.constant 0 : i32
    %dma_wait3A_69 = tpu.memref_slice %arg10[%dma_wait3A_67, %dma_wait3A_68] : memref<640x16xf32, #tpu.memory_space<vmem>> -> memref<128x16xf32, #tpu.memory_space<vmem>>
    %dma_wait3A_70 = arith.constant 128 : i32
    %dma_wait3A_71 = tpu.memref_slice %arg8[%dma_wait3A_70] : memref<640xi32, #tpu.memory_space<vmem>> -> memref<128xi32, #tpu.memory_space<vmem>>
    %dma_wait3A_72 = arith.constant 0 : i32
    %dma_wait3A_73 = arith.constant 0 : i32
    %dma_wait3A_74 = tpu.memref_slice %arg2[%dma_wait3A_72, %dma_wait3A_73] : memref<100000x16xf32, #tpu.memory_space<hbm>> -> memref<100000x16xf32, #tpu.memory_space<hbm>>
    tpu.wait_indirect_dma semaphore(%arg11 : memref<!tpu.dma_semaphore, #tpu.memory_space<semaphore_mem>>) src(%dma_wait3A_74 : memref<100000x16xf32, #tpu.memory_space<hbm>>) dst(%dma_wait3A_69 : memref<128x16xf32, #tpu.memory_space<vmem>>)
    %dma_wait3A_75 = arith.constant 256 : i32
    %dma_wait3A_76 = arith.constant 0 : i32
    %dma_wait3A_77 = tpu.memref_slice %arg10[%dma_wait3A_75, %dma_wait3A_76] : memref<640x16xf32, #tpu.memory_space<vmem>> -> memref<128x16xf32, #tpu.memory_space<vmem>>
    %dma_wait3A_78 = arith.constant 256 : i32
    %dma_wait3A_79 = tpu.memref_slice %arg8[%dma_wait3A_78] : memref<640xi32, #tpu.memory_space<vmem>> -> memref<128xi32, #tpu.memory_space<vmem>>
    %dma_wait3A_80 = arith.constant 0 : i32
    %dma_wait3A_81 = arith.constant 0 : i32
    %dma_wait3A_82 = tpu.memref_slice %arg2[%dma_wait3A_80, %dma_wait3A_81] : memref<100000x16xf32, #tpu.memory_space<hbm>> -> memref<100000x16xf32, #tpu.memory_space<hbm>>
    tpu.wait_indirect_dma semaphore(%arg11 : memref<!tpu.dma_semaphore, #tpu.memory_space<semaphore_mem>>) src(%dma_wait3A_82 : memref<100000x16xf32, #tpu.memory_space<hbm>>) dst(%dma_wait3A_77 : memref<128x16xf32, #tpu.memory_space<vmem>>)
    %dma_wait3A_83 = arith.constant 384 : i32
    %dma_wait3A_84 = arith.constant 0 : i32
    %dma_wait3A_85 = tpu.memref_slice %arg10[%dma_wait3A_83, %dma_wait3A_84] : memref<640x16xf32, #tpu.memory_space<vmem>> -> memref<128x16xf32, #tpu.memory_space<vmem>>
    %dma_wait3A_86 = arith.constant 384 : i32
    %dma_wait3A_87 = tpu.memref_slice %arg8[%dma_wait3A_86] : memref<640xi32, #tpu.memory_space<vmem>> -> memref<128xi32, #tpu.memory_space<vmem>>
    %dma_wait3A_88 = arith.constant 0 : i32
    %dma_wait3A_89 = arith.constant 0 : i32
    %dma_wait3A_90 = tpu.memref_slice %arg2[%dma_wait3A_88, %dma_wait3A_89] : memref<100000x16xf32, #tpu.memory_space<hbm>> -> memref<100000x16xf32, #tpu.memory_space<hbm>>
    tpu.wait_indirect_dma semaphore(%arg11 : memref<!tpu.dma_semaphore, #tpu.memory_space<semaphore_mem>>) src(%dma_wait3A_90 : memref<100000x16xf32, #tpu.memory_space<hbm>>) dst(%dma_wait3A_85 : memref<128x16xf32, #tpu.memory_space<vmem>>)
    %dma_wait3A_91 = arith.constant 512 : i32
    %dma_wait3A_92 = arith.constant 0 : i32
    %dma_wait3A_93 = tpu.memref_slice %arg10[%dma_wait3A_91, %dma_wait3A_92] : memref<640x16xf32, #tpu.memory_space<vmem>> -> memref<128x16xf32, #tpu.memory_space<vmem>>
    %dma_wait3A_94 = arith.constant 512 : i32
    %dma_wait3A_95 = tpu.memref_slice %arg8[%dma_wait3A_94] : memref<640xi32, #tpu.memory_space<vmem>> -> memref<128xi32, #tpu.memory_space<vmem>>
    %dma_wait3A_96 = arith.constant 0 : i32
    %dma_wait3A_97 = arith.constant 0 : i32
    %dma_wait3A_98 = tpu.memref_slice %arg2[%dma_wait3A_96, %dma_wait3A_97] : memref<100000x16xf32, #tpu.memory_space<hbm>> -> memref<100000x16xf32, #tpu.memory_space<hbm>>
    tpu.wait_indirect_dma semaphore(%arg11 : memref<!tpu.dma_semaphore, #tpu.memory_space<semaphore_mem>>) src(%dma_wait3A_98 : memref<100000x16xf32, #tpu.memory_space<hbm>>) dst(%dma_wait3A_93 : memref<128x16xf32, #tpu.memory_space<vmem>>)
    "tpu.region"() ({
      %run_scoped3A = tpu.sem_alloc : memref<!tpu.dma_semaphore, #tpu.memory_space<semaphore_mem>>
      %dma_start3A_99 = arith.constant 0 : i32
      %dma_start3A_100 = tpu.memref_slice %arg5[%mul3A_2, %dma_start3A_99] : memref<2048x16xf32, #tpu.memory_space<hbm>> -> memref<64x16xf32, #tpu.memory_space<hbm>>
      %dma_start3A_101 = arith.constant 0 : i32
      %dma_start3A_102 = tpu.memref_slice %arg5[%mul3A_2, %dma_start3A_101] : memref<2048x16xf32, #tpu.memory_space<hbm>> -> memref<64x16xf32, #tpu.memory_space<hbm>>
      tpu.enqueue_dma source(%arg9 : memref<64x16xf32, #tpu.memory_space<vmem>>) target(%dma_start3A_102 : memref<64x16xf32, #tpu.memory_space<hbm>>) target_semaphore(%run_scoped3A : memref<!tpu.dma_semaphore, #tpu.memory_space<semaphore_mem>>)
      %dma_wait3A_103 = arith.constant 0 : i32
      %dma_wait3A_104 = tpu.memref_slice %arg5[%mul3A_2, %dma_wait3A_103] : memref<2048x16xf32, #tpu.memory_space<hbm>> -> memref<64x16xf32, #tpu.memory_space<hbm>>
      %dma_wait3A_105 = arith.constant 0 : i32
      %dma_wait3A_106 = tpu.memref_slice %arg5[%mul3A_2, %dma_wait3A_105] : memref<2048x16xf32, #tpu.memory_space<hbm>> -> memref<64x16xf32, #tpu.memory_space<hbm>>
      tpu.wait_dma2 semaphore(%run_scoped3A : memref<!tpu.dma_semaphore, #tpu.memory_space<semaphore_mem>>) src(%arg9 : memref<64x16xf32, #tpu.memory_space<vmem>>) dst(%dma_wait3A_106 : memref<64x16xf32, #tpu.memory_space<hbm>>)
      tpu.yield
    }) : () -> ()
    "tpu.region"() ({
      %run_scoped3A = tpu.sem_alloc : memref<!tpu.dma_semaphore, #tpu.memory_space<semaphore_mem>>
      %dma_start3A_99 = arith.constant 0 : i32
      %dma_start3A_100 = tpu.memref_slice %arg6[%mul3A_4, %dma_start3A_99] : memref<20480x16xf32, #tpu.memory_space<hbm>> -> memref<640x16xf32, #tpu.memory_space<hbm>>
      %dma_start3A_101 = arith.constant 0 : i32
      %dma_start3A_102 = tpu.memref_slice %arg6[%mul3A_4, %dma_start3A_101] : memref<20480x16xf32, #tpu.memory_space<hbm>> -> memref<640x16xf32, #tpu.memory_space<hbm>>
      tpu.enqueue_dma source(%arg10 : memref<640x16xf32, #tpu.memory_space<vmem>>) target(%dma_start3A_102 : memref<640x16xf32, #tpu.memory_space<hbm>>) target_semaphore(%run_scoped3A : memref<!tpu.dma_semaphore, #tpu.memory_space<semaphore_mem>>)
      %dma_wait3A_103 = arith.constant 0 : i32
      %dma_wait3A_104 = tpu.memref_slice %arg6[%mul3A_4, %dma_wait3A_103] : memref<20480x16xf32, #tpu.memory_space<hbm>> -> memref<640x16xf32, #tpu.memory_space<hbm>>
      %dma_wait3A_105 = arith.constant 0 : i32
      %dma_wait3A_106 = tpu.memref_slice %arg6[%mul3A_4, %dma_wait3A_105] : memref<20480x16xf32, #tpu.memory_space<hbm>> -> memref<640x16xf32, #tpu.memory_space<hbm>>
      tpu.wait_dma2 semaphore(%run_scoped3A : memref<!tpu.dma_semaphore, #tpu.memory_space<semaphore_mem>>) src(%arg10 : memref<640x16xf32, #tpu.memory_space<vmem>>) dst(%dma_wait3A_106 : memref<640x16xf32, #tpu.memory_space<hbm>>)
      tpu.yield
    }) : () -> ()
    return
  }
}

#map = affine_map<(d0, d1) -> (0, 0)>
#map1 = affine_map<(d0, d1) -> (0)>
module attributes {stable_mosaic.version = 14 : i64} {
  func.func @k(%arg0: i32, %arg1: i32, %arg2: memref<100000x32xf32, #tpu.memory_space<hbm>>, %arg3: memref<20480xi32, #tpu.memory_space<hbm>>, %arg4: memref<20480x32xf32, #tpu.memory_space<hbm>>, %arg5: memref<640xi32, #tpu.memory_space<vmem>>, %arg6: memref<640x32xf32, #tpu.memory_space<vmem>>, %arg7: memref<!tpu.dma_semaphore, #tpu.memory_space<semaphore_mem>>) attributes {dimension_semantics = [#tpu.dimension_semantics<core_parallel>, #tpu.dimension_semantics<subcore_parallel>], iteration_bounds = array<i64: 2, 16>, scalar_prefetch = 0 : i64, scratch_operands = 3 : i64, tpu.core_type = #tpu.core_type<sc_vector_subcore>, window_params = [{transform_indices = #map}, {transform_indices = #map1}, {transform_indices = #map}]} {
    %mul3A = arith.constant 2 : i32
    %mul3A_0 = arith.muli %arg1, %mul3A : i32
    %add3A = arith.addi %mul3A_0, %arg0 : i32
    %mul3A_1 = arith.constant 640 : i32
    %mul3A_2 = arith.muli %add3A, %mul3A_1 : i32
    "tpu.region"() ({
      %run_scoped3A = tpu.sem_alloc : memref<!tpu.dma_semaphore, #tpu.memory_space<semaphore_mem>>
      %dma_start3A_81 = tpu.memref_slice %arg3[%mul3A_2] : memref<20480xi32, #tpu.memory_space<hbm>> -> memref<640xi32, #tpu.memory_space<hbm>>
      %dma_start3A_82 = tpu.memref_slice %arg3[%mul3A_2] : memref<20480xi32, #tpu.memory_space<hbm>> -> memref<640xi32, #tpu.memory_space<hbm>>
      tpu.enqueue_dma source(%dma_start3A_82 : memref<640xi32, #tpu.memory_space<hbm>>) target(%arg5 : memref<640xi32, #tpu.memory_space<vmem>>) target_semaphore(%run_scoped3A : memref<!tpu.dma_semaphore, #tpu.memory_space<semaphore_mem>>)
      %dma_wait3A_83 = tpu.memref_slice %arg3[%mul3A_2] : memref<20480xi32, #tpu.memory_space<hbm>> -> memref<640xi32, #tpu.memory_space<hbm>>
      %dma_wait3A_84 = tpu.memref_slice %arg3[%mul3A_2] : memref<20480xi32, #tpu.memory_space<hbm>> -> memref<640xi32, #tpu.memory_space<hbm>>
      tpu.wait_dma2 semaphore(%run_scoped3A : memref<!tpu.dma_semaphore, #tpu.memory_space<semaphore_mem>>) src(%dma_wait3A_84 : memref<640xi32, #tpu.memory_space<hbm>>) dst(%arg5 : memref<640xi32, #tpu.memory_space<vmem>>)
      tpu.yield
    }) : () -> ()
    %dma_start3A = arith.constant 0 : i32
    %dma_start3A_3 = arith.constant 0 : i32
    %dma_start3A_4 = tpu.memref_slice %arg6[%dma_start3A, %dma_start3A_3] : memref<640x32xf32, #tpu.memory_space<vmem>> -> memref<128x32xf32, #tpu.memory_space<vmem>>
    %dma_start3A_5 = arith.constant 0 : i32
    %dma_start3A_6 = tpu.memref_slice %arg5[%dma_start3A_5] : memref<640xi32, #tpu.memory_space<vmem>> -> memref<128xi32, #tpu.memory_space<vmem>>
    %dma_start3A_7 = arith.constant 0 : i32
    %dma_start3A_8 = arith.constant 0 : i32
    %dma_start3A_9 = tpu.memref_slice %arg2[%dma_start3A_7, %dma_start3A_8] : memref<100000x32xf32, #tpu.memory_space<hbm>> -> memref<100000x32xf32, #tpu.memory_space<hbm>>
    tpu.enqueue_indirect_dma source(%dma_start3A_9 : memref<100000x32xf32, #tpu.memory_space<hbm>>) target(%dma_start3A_4 : memref<128x32xf32, #tpu.memory_space<vmem>>) offsets(%dma_start3A_6 : memref<128xi32, #tpu.memory_space<vmem>>) semaphore(%arg7 : memref<!tpu.dma_semaphore, #tpu.memory_space<semaphore_mem>>)
    %dma_start3A_10 = arith.constant 128 : i32
    %dma_start3A_11 = arith.constant 0 : i32
    %dma_start3A_12 = tpu.memref_slice %arg6[%dma_start3A_10, %dma_start3A_11] : memref<640x32xf32, #tpu.memory_space<vmem>> -> memref<128x32xf32, #tpu.memory_space<vmem>>
    %dma_start3A_13 = arith.constant 128 : i32
    %dma_start3A_14 = tpu.memref_slice %arg5[%dma_start3A_13] : memref<640xi32, #tpu.memory_space<vmem>> -> memref<128xi32, #tpu.memory_space<vmem>>
    %dma_start3A_15 = arith.constant 0 : i32
    %dma_start3A_16 = arith.constant 0 : i32
    %dma_start3A_17 = tpu.memref_slice %arg2[%dma_start3A_15, %dma_start3A_16] : memref<100000x32xf32, #tpu.memory_space<hbm>> -> memref<100000x32xf32, #tpu.memory_space<hbm>>
    tpu.enqueue_indirect_dma source(%dma_start3A_17 : memref<100000x32xf32, #tpu.memory_space<hbm>>) target(%dma_start3A_12 : memref<128x32xf32, #tpu.memory_space<vmem>>) offsets(%dma_start3A_14 : memref<128xi32, #tpu.memory_space<vmem>>) semaphore(%arg7 : memref<!tpu.dma_semaphore, #tpu.memory_space<semaphore_mem>>)
    %dma_start3A_18 = arith.constant 256 : i32
    %dma_start3A_19 = arith.constant 0 : i32
    %dma_start3A_20 = tpu.memref_slice %arg6[%dma_start3A_18, %dma_start3A_19] : memref<640x32xf32, #tpu.memory_space<vmem>> -> memref<128x32xf32, #tpu.memory_space<vmem>>
    %dma_start3A_21 = arith.constant 256 : i32
    %dma_start3A_22 = tpu.memref_slice %arg5[%dma_start3A_21] : memref<640xi32, #tpu.memory_space<vmem>> -> memref<128xi32, #tpu.memory_space<vmem>>
    %dma_start3A_23 = arith.constant 0 : i32
    %dma_start3A_24 = arith.constant 0 : i32
    %dma_start3A_25 = tpu.memref_slice %arg2[%dma_start3A_23, %dma_start3A_24] : memref<100000x32xf32, #tpu.memory_space<hbm>> -> memref<100000x32xf32, #tpu.memory_space<hbm>>
    tpu.enqueue_indirect_dma source(%dma_start3A_25 : memref<100000x32xf32, #tpu.memory_space<hbm>>) target(%dma_start3A_20 : memref<128x32xf32, #tpu.memory_space<vmem>>) offsets(%dma_start3A_22 : memref<128xi32, #tpu.memory_space<vmem>>) semaphore(%arg7 : memref<!tpu.dma_semaphore, #tpu.memory_space<semaphore_mem>>)
    %dma_start3A_26 = arith.constant 384 : i32
    %dma_start3A_27 = arith.constant 0 : i32
    %dma_start3A_28 = tpu.memref_slice %arg6[%dma_start3A_26, %dma_start3A_27] : memref<640x32xf32, #tpu.memory_space<vmem>> -> memref<128x32xf32, #tpu.memory_space<vmem>>
    %dma_start3A_29 = arith.constant 384 : i32
    %dma_start3A_30 = tpu.memref_slice %arg5[%dma_start3A_29] : memref<640xi32, #tpu.memory_space<vmem>> -> memref<128xi32, #tpu.memory_space<vmem>>
    %dma_start3A_31 = arith.constant 0 : i32
    %dma_start3A_32 = arith.constant 0 : i32
    %dma_start3A_33 = tpu.memref_slice %arg2[%dma_start3A_31, %dma_start3A_32] : memref<100000x32xf32, #tpu.memory_space<hbm>> -> memref<100000x32xf32, #tpu.memory_space<hbm>>
    tpu.enqueue_indirect_dma source(%dma_start3A_33 : memref<100000x32xf32, #tpu.memory_space<hbm>>) target(%dma_start3A_28 : memref<128x32xf32, #tpu.memory_space<vmem>>) offsets(%dma_start3A_30 : memref<128xi32, #tpu.memory_space<vmem>>) semaphore(%arg7 : memref<!tpu.dma_semaphore, #tpu.memory_space<semaphore_mem>>)
    %dma_start3A_34 = arith.constant 512 : i32
    %dma_start3A_35 = arith.constant 0 : i32
    %dma_start3A_36 = tpu.memref_slice %arg6[%dma_start3A_34, %dma_start3A_35] : memref<640x32xf32, #tpu.memory_space<vmem>> -> memref<128x32xf32, #tpu.memory_space<vmem>>
    %dma_start3A_37 = arith.constant 512 : i32
    %dma_start3A_38 = tpu.memref_slice %arg5[%dma_start3A_37] : memref<640xi32, #tpu.memory_space<vmem>> -> memref<128xi32, #tpu.memory_space<vmem>>
    %dma_start3A_39 = arith.constant 0 : i32
    %dma_start3A_40 = arith.constant 0 : i32
    %dma_start3A_41 = tpu.memref_slice %arg2[%dma_start3A_39, %dma_start3A_40] : memref<100000x32xf32, #tpu.memory_space<hbm>> -> memref<100000x32xf32, #tpu.memory_space<hbm>>
    tpu.enqueue_indirect_dma source(%dma_start3A_41 : memref<100000x32xf32, #tpu.memory_space<hbm>>) target(%dma_start3A_36 : memref<128x32xf32, #tpu.memory_space<vmem>>) offsets(%dma_start3A_38 : memref<128xi32, #tpu.memory_space<vmem>>) semaphore(%arg7 : memref<!tpu.dma_semaphore, #tpu.memory_space<semaphore_mem>>)
    %dma_wait3A = arith.constant 0 : i32
    %dma_wait3A_42 = arith.constant 0 : i32
    %dma_wait3A_43 = tpu.memref_slice %arg6[%dma_wait3A, %dma_wait3A_42] : memref<640x32xf32, #tpu.memory_space<vmem>> -> memref<128x32xf32, #tpu.memory_space<vmem>>
    %dma_wait3A_44 = arith.constant 0 : i32
    %dma_wait3A_45 = tpu.memref_slice %arg5[%dma_wait3A_44] : memref<640xi32, #tpu.memory_space<vmem>> -> memref<128xi32, #tpu.memory_space<vmem>>
    %dma_wait3A_46 = arith.constant 0 : i32
    %dma_wait3A_47 = arith.constant 0 : i32
    %dma_wait3A_48 = tpu.memref_slice %arg2[%dma_wait3A_46, %dma_wait3A_47] : memref<100000x32xf32, #tpu.memory_space<hbm>> -> memref<100000x32xf32, #tpu.memory_space<hbm>>
    tpu.wait_indirect_dma semaphore(%arg7 : memref<!tpu.dma_semaphore, #tpu.memory_space<semaphore_mem>>) src(%dma_wait3A_48 : memref<100000x32xf32, #tpu.memory_space<hbm>>) dst(%dma_wait3A_43 : memref<128x32xf32, #tpu.memory_space<vmem>>)
    %dma_wait3A_49 = arith.constant 128 : i32
    %dma_wait3A_50 = arith.constant 0 : i32
    %dma_wait3A_51 = tpu.memref_slice %arg6[%dma_wait3A_49, %dma_wait3A_50] : memref<640x32xf32, #tpu.memory_space<vmem>> -> memref<128x32xf32, #tpu.memory_space<vmem>>
    %dma_wait3A_52 = arith.constant 128 : i32
    %dma_wait3A_53 = tpu.memref_slice %arg5[%dma_wait3A_52] : memref<640xi32, #tpu.memory_space<vmem>> -> memref<128xi32, #tpu.memory_space<vmem>>
    %dma_wait3A_54 = arith.constant 0 : i32
    %dma_wait3A_55 = arith.constant 0 : i32
    %dma_wait3A_56 = tpu.memref_slice %arg2[%dma_wait3A_54, %dma_wait3A_55] : memref<100000x32xf32, #tpu.memory_space<hbm>> -> memref<100000x32xf32, #tpu.memory_space<hbm>>
    tpu.wait_indirect_dma semaphore(%arg7 : memref<!tpu.dma_semaphore, #tpu.memory_space<semaphore_mem>>) src(%dma_wait3A_56 : memref<100000x32xf32, #tpu.memory_space<hbm>>) dst(%dma_wait3A_51 : memref<128x32xf32, #tpu.memory_space<vmem>>)
    %dma_wait3A_57 = arith.constant 256 : i32
    %dma_wait3A_58 = arith.constant 0 : i32
    %dma_wait3A_59 = tpu.memref_slice %arg6[%dma_wait3A_57, %dma_wait3A_58] : memref<640x32xf32, #tpu.memory_space<vmem>> -> memref<128x32xf32, #tpu.memory_space<vmem>>
    %dma_wait3A_60 = arith.constant 256 : i32
    %dma_wait3A_61 = tpu.memref_slice %arg5[%dma_wait3A_60] : memref<640xi32, #tpu.memory_space<vmem>> -> memref<128xi32, #tpu.memory_space<vmem>>
    %dma_wait3A_62 = arith.constant 0 : i32
    %dma_wait3A_63 = arith.constant 0 : i32
    %dma_wait3A_64 = tpu.memref_slice %arg2[%dma_wait3A_62, %dma_wait3A_63] : memref<100000x32xf32, #tpu.memory_space<hbm>> -> memref<100000x32xf32, #tpu.memory_space<hbm>>
    tpu.wait_indirect_dma semaphore(%arg7 : memref<!tpu.dma_semaphore, #tpu.memory_space<semaphore_mem>>) src(%dma_wait3A_64 : memref<100000x32xf32, #tpu.memory_space<hbm>>) dst(%dma_wait3A_59 : memref<128x32xf32, #tpu.memory_space<vmem>>)
    %dma_wait3A_65 = arith.constant 384 : i32
    %dma_wait3A_66 = arith.constant 0 : i32
    %dma_wait3A_67 = tpu.memref_slice %arg6[%dma_wait3A_65, %dma_wait3A_66] : memref<640x32xf32, #tpu.memory_space<vmem>> -> memref<128x32xf32, #tpu.memory_space<vmem>>
    %dma_wait3A_68 = arith.constant 384 : i32
    %dma_wait3A_69 = tpu.memref_slice %arg5[%dma_wait3A_68] : memref<640xi32, #tpu.memory_space<vmem>> -> memref<128xi32, #tpu.memory_space<vmem>>
    %dma_wait3A_70 = arith.constant 0 : i32
    %dma_wait3A_71 = arith.constant 0 : i32
    %dma_wait3A_72 = tpu.memref_slice %arg2[%dma_wait3A_70, %dma_wait3A_71] : memref<100000x32xf32, #tpu.memory_space<hbm>> -> memref<100000x32xf32, #tpu.memory_space<hbm>>
    tpu.wait_indirect_dma semaphore(%arg7 : memref<!tpu.dma_semaphore, #tpu.memory_space<semaphore_mem>>) src(%dma_wait3A_72 : memref<100000x32xf32, #tpu.memory_space<hbm>>) dst(%dma_wait3A_67 : memref<128x32xf32, #tpu.memory_space<vmem>>)
    %dma_wait3A_73 = arith.constant 512 : i32
    %dma_wait3A_74 = arith.constant 0 : i32
    %dma_wait3A_75 = tpu.memref_slice %arg6[%dma_wait3A_73, %dma_wait3A_74] : memref<640x32xf32, #tpu.memory_space<vmem>> -> memref<128x32xf32, #tpu.memory_space<vmem>>
    %dma_wait3A_76 = arith.constant 512 : i32
    %dma_wait3A_77 = tpu.memref_slice %arg5[%dma_wait3A_76] : memref<640xi32, #tpu.memory_space<vmem>> -> memref<128xi32, #tpu.memory_space<vmem>>
    %dma_wait3A_78 = arith.constant 0 : i32
    %dma_wait3A_79 = arith.constant 0 : i32
    %dma_wait3A_80 = tpu.memref_slice %arg2[%dma_wait3A_78, %dma_wait3A_79] : memref<100000x32xf32, #tpu.memory_space<hbm>> -> memref<100000x32xf32, #tpu.memory_space<hbm>>
    tpu.wait_indirect_dma semaphore(%arg7 : memref<!tpu.dma_semaphore, #tpu.memory_space<semaphore_mem>>) src(%dma_wait3A_80 : memref<100000x32xf32, #tpu.memory_space<hbm>>) dst(%dma_wait3A_75 : memref<128x32xf32, #tpu.memory_space<vmem>>)
    "tpu.region"() ({
      %run_scoped3A = tpu.sem_alloc : memref<!tpu.dma_semaphore, #tpu.memory_space<semaphore_mem>>
      %dma_start3A_81 = arith.constant 0 : i32
      %dma_start3A_82 = tpu.memref_slice %arg4[%mul3A_2, %dma_start3A_81] : memref<20480x32xf32, #tpu.memory_space<hbm>> -> memref<640x32xf32, #tpu.memory_space<hbm>>
      %dma_start3A_83 = arith.constant 0 : i32
      %dma_start3A_84 = tpu.memref_slice %arg4[%mul3A_2, %dma_start3A_83] : memref<20480x32xf32, #tpu.memory_space<hbm>> -> memref<640x32xf32, #tpu.memory_space<hbm>>
      tpu.enqueue_dma source(%arg6 : memref<640x32xf32, #tpu.memory_space<vmem>>) target(%dma_start3A_84 : memref<640x32xf32, #tpu.memory_space<hbm>>) target_semaphore(%run_scoped3A : memref<!tpu.dma_semaphore, #tpu.memory_space<semaphore_mem>>)
      %dma_wait3A_85 = arith.constant 0 : i32
      %dma_wait3A_86 = tpu.memref_slice %arg4[%mul3A_2, %dma_wait3A_85] : memref<20480x32xf32, #tpu.memory_space<hbm>> -> memref<640x32xf32, #tpu.memory_space<hbm>>
      %dma_wait3A_87 = arith.constant 0 : i32
      %dma_wait3A_88 = tpu.memref_slice %arg4[%mul3A_2, %dma_wait3A_87] : memref<20480x32xf32, #tpu.memory_space<hbm>> -> memref<640x32xf32, #tpu.memory_space<hbm>>
      tpu.wait_dma2 semaphore(%run_scoped3A : memref<!tpu.dma_semaphore, #tpu.memory_space<semaphore_mem>>) src(%arg6 : memref<640x32xf32, #tpu.memory_space<vmem>>) dst(%dma_wait3A_88 : memref<640x32xf32, #tpu.memory_space<hbm>>)
      tpu.yield
    }) : () -> ()
    return
  }
}

module attributes {stable_mosaic.version = 14 : i64} {
  func.func @_xdy_body(%arg0: i32, %arg1: memref<4000x20xf32, #tpu.memory_space<vmem>>, %arg2: memref<20x20xf32, #tpu.memory_space<vmem>>, %arg3: memref<1x20xf32, #tpu.memory_space<vmem>>, %arg4: memref<20x16xf32, #tpu.memory_space<vmem>>, %arg5: memref<1x16xf32, #tpu.memory_space<vmem>>, %arg6: memref<4000x16xf32, #tpu.memory_space<vmem>>) attributes {dimension_semantics = [#tpu.dimension_semantics<arbitrary>], iteration_bounds = array<i64: 25>, scalar_prefetch = 0 : i64, scratch_operands = 0 : i64, tpu.core_type = #tpu.core_type<tc>, window_params = [{transform_indices = @transform_0, window_bounds = array<i64: 4000, 20>}, {pipeline_mode = #tpu.pipeline_mode<synchronous>, transform_indices = @transform_1, window_bounds = array<i64: 20, 20>}, {pipeline_mode = #tpu.pipeline_mode<synchronous>, transform_indices = @transform_2, window_bounds = array<i64: 1, 20>}, {pipeline_mode = #tpu.pipeline_mode<synchronous>, transform_indices = @transform_3, window_bounds = array<i64: 20, 16>}, {pipeline_mode = #tpu.pipeline_mode<synchronous>, transform_indices = @transform_4, window_bounds = array<i64: 1, 16>}, {transform_indices = @transform_5, window_bounds = array<i64: 4000, 16>}]} {
    %get3A = arith.constant 0 : index
    %get3A_0 = arith.constant 0 : index
    %get3A_1 = vector.load %arg1[%get3A, %get3A_0] : memref<4000x20xf32, #tpu.memory_space<vmem>>, vector<4000x20xf32>
    %get3A_2 = arith.constant 0 : index
    %get3A_3 = arith.constant 0 : index
    %get3A_4 = vector.load %arg2[%get3A_2, %get3A_3] : memref<20x20xf32, #tpu.memory_space<vmem>>, vector<20x20xf32>
    %dot_general3A = arith.constant dense<0.000000e+00> : vector<4000x20xf32>
    %dot_general3A_5 = tpu.matmul %get3A_1, %get3A_4, %dot_general3A {dimension_numbers = #tpu.dot_dimension_numbers<[1], [0], [0], [1], [0, 0, 1, 1], [], []>, transpose_lhs_hint = false} : vector<4000x20xf32>, vector<20x20xf32>, vector<4000x20xf32> -> vector<4000x20xf32>
    %get3A_6 = arith.constant 0 : index
    %get3A_7 = arith.constant 0 : index
    %get3A_8 = vector.load %arg3[%get3A_6, %get3A_7] : memref<1x20xf32, #tpu.memory_space<vmem>>, vector<1x20xf32>
    %add3A = vector.broadcast %get3A_8 : vector<1x20xf32> to vector<4000x20xf32>
    %add3A_9 = arith.addf %dot_general3A_5, %add3A : vector<4000x20xf32>
    %max3A = arith.constant 0.000000e+00 : f32
    %max3A_10 = vector.broadcast %max3A : f32 to vector<4000x20xf32>
    %max3A_11 = arith.maximumf %add3A_9, %max3A_10 : vector<4000x20xf32>
    %get3A_12 = arith.constant 0 : index
    %get3A_13 = arith.constant 0 : index
    %get3A_14 = vector.load %arg4[%get3A_12, %get3A_13] : memref<20x16xf32, #tpu.memory_space<vmem>>, vector<20x16xf32>
    %dot_general3A_15 = arith.constant dense<0.000000e+00> : vector<4000x16xf32>
    %dot_general3A_16 = tpu.matmul %max3A_11, %get3A_14, %dot_general3A_15 {dimension_numbers = #tpu.dot_dimension_numbers<[1], [0], [0], [1], [0, 0, 1, 1], [], []>, transpose_lhs_hint = false} : vector<4000x20xf32>, vector<20x16xf32>, vector<4000x16xf32> -> vector<4000x16xf32>
    %get3A_17 = arith.constant 0 : index
    %get3A_18 = arith.constant 0 : index
    %get3A_19 = vector.load %arg5[%get3A_17, %get3A_18] : memref<1x16xf32, #tpu.memory_space<vmem>>, vector<1x16xf32>
    %add3A_20 = vector.broadcast %get3A_19 : vector<1x16xf32> to vector<4000x16xf32>
    %add3A_21 = arith.addf %dot_general3A_16, %add3A_20 : vector<4000x16xf32>
    %swap3A = arith.constant 0 : index
    %swap3A_22 = arith.constant 0 : index
    %swap3A_23 = vector.load %arg6[%swap3A, %swap3A_22] : memref<4000x16xf32, #tpu.memory_space<vmem>>, vector<4000x16xf32>
    tpu.vector_store %arg6[%swap3A, %swap3A_22], %add3A_21 {strides = array<i32>} : memref<4000x16xf32, #tpu.memory_space<vmem>>, vector<4000x16xf32>,
    return
  }
  func.func @transform_0(%arg0: i32) -> (i32, i32) {
    %c0_i32 = arith.constant 0 : i32
    %c0_i32_0 = arith.constant 0 : i32
    return %arg0, %c0_i32 : i32, i32
  }
  func.func @transform_1(%arg0: i32) -> (i32, i32) {
    %c0_i32 = arith.constant 0 : i32
    %c0_i32_0 = arith.constant 0 : i32
    %c0_i32_1 = arith.constant 0 : i32
    return %c0_i32, %c0_i32_0 : i32, i32
  }
  func.func @transform_2(%arg0: i32) -> (i32, i32) {
    %c0_i32 = arith.constant 0 : i32
    %c0_i32_0 = arith.constant 0 : i32
    %c0_i32_1 = arith.constant 0 : i32
    return %c0_i32, %c0_i32_0 : i32, i32
  }
  func.func @transform_3(%arg0: i32) -> (i32, i32) {
    %c0_i32 = arith.constant 0 : i32
    %c0_i32_0 = arith.constant 0 : i32
    %c0_i32_1 = arith.constant 0 : i32
    return %c0_i32, %c0_i32_0 : i32, i32
  }
  func.func @transform_4(%arg0: i32) -> (i32, i32) {
    %c0_i32 = arith.constant 0 : i32
    %c0_i32_0 = arith.constant 0 : i32
    %c0_i32_1 = arith.constant 0 : i32
    return %c0_i32, %c0_i32_0 : i32, i32
  }
  func.func @transform_5(%arg0: i32) -> (i32, i32) {
    %c0_i32 = arith.constant 0 : i32
    %c0_i32_0 = arith.constant 0 : i32
    return %arg0, %c0_i32 : i32, i32
  }
}

module attributes {stable_mosaic.version = 14 : i64} {
  func.func @_retrieve_body(%arg0: i32, %arg1: memref<512x32xf32, #tpu.memory_space<vmem>>, %arg2: memref<512x32xf32, #tpu.memory_space<vmem>>, %arg3: memref<512x32xf32, #tpu.memory_space<vmem>>, %arg4: memref<512x32xf32, #tpu.memory_space<vmem>>, %arg5: memref<512x32xf32, #tpu.memory_space<vmem>>, %arg6: memref<160x20xf32, #tpu.memory_space<vmem>>, %arg7: memref<1x20xf32, #tpu.memory_space<vmem>>, %arg8: memref<20x16xf32, #tpu.memory_space<vmem>>, %arg9: memref<1x16xf32, #tpu.memory_space<vmem>>, %arg10: memref<16x2048xf32, #tpu.memory_space<vmem>>, %arg11: memref<512x16xf32, #tpu.memory_space<vmem>>, %arg12: memref<512x10xf32, #tpu.memory_space<vmem>>) attributes {dimension_semantics = [#tpu.dimension_semantics<arbitrary>], iteration_bounds = array<i64: 40>, scalar_prefetch = 0 : i64, scratch_operands = 0 : i64, tpu.core_type = #tpu.core_type<tc>, window_params = [{transform_indices = @transform_0, window_bounds = array<i64: 512, 32>}, {transform_indices = @transform_1, window_bounds = array<i64: 512, 32>}, {transform_indices = @transform_2, window_bounds = array<i64: 512, 32>}, {transform_indices = @transform_3, window_bounds = array<i64: 512, 32>}, {transform_indices = @transform_4, window_bounds = array<i64: 512, 32>}, {pipeline_mode = #tpu.pipeline_mode<synchronous>, transform_indices = @transform_5, window_bounds = array<i64: 160, 20>}, {pipeline_mode = #tpu.pipeline_mode<synchronous>, transform_indices = @transform_6, window_bounds = array<i64: 1, 20>}, {pipeline_mode = #tpu.pipeline_mode<synchronous>, transform_indices = @transform_7, window_bounds = array<i64: 20, 16>}, {pipeline_mode = #tpu.pipeline_mode<synchronous>, transform_indices = @transform_8, window_bounds = array<i64: 1, 16>}, {pipeline_mode = #tpu.pipeline_mode<synchronous>, transform_indices = @transform_9, window_bounds = array<i64: 16, 2048>}, {transform_indices = @transform_10, window_bounds = array<i64: 512, 16>}, {transform_indices = @transform_11, window_bounds = array<i64: 512, 10>}]} {
    %get3A = arith.constant 0 : index
    %get3A_0 = arith.constant 0 : index
    %get3A_1 = vector.load %arg1[%get3A, %get3A_0] : memref<512x32xf32, #tpu.memory_space<vmem>>, vector<512x32xf32>
    %get3A_2 = arith.constant 0 : index
    %get3A_3 = arith.constant 0 : index
    %get3A_4 = vector.load %arg2[%get3A_2, %get3A_3] : memref<512x32xf32, #tpu.memory_space<vmem>>, vector<512x32xf32>
    %get3A_5 = arith.constant 0 : index
    %get3A_6 = arith.constant 0 : index
    %get3A_7 = vector.load %arg3[%get3A_5, %get3A_6] : memref<512x32xf32, #tpu.memory_space<vmem>>, vector<512x32xf32>
    %get3A_8 = arith.constant 0 : index
    %get3A_9 = arith.constant 0 : index
    %get3A_10 = vector.load %arg4[%get3A_8, %get3A_9] : memref<512x32xf32, #tpu.memory_space<vmem>>, vector<512x32xf32>
    %get3A_11 = arith.constant 0 : index
    %get3A_12 = arith.constant 0 : index
    %get3A_13 = vector.load %arg5[%get3A_11, %get3A_12] : memref<512x32xf32, #tpu.memory_space<vmem>>, vector<512x32xf32>
    %concatenate3A = tpu.concatenate %get3A_1, %get3A_4, %get3A_7, %get3A_10, %get3A_13 in 1 : vector<512x32xf32>, vector<512x32xf32>, vector<512x32xf32>, vector<512x32xf32>, vector<512x32xf32> -> vector<512x160xf32>
    %get3A_14 = arith.constant 0 : index
    %get3A_15 = arith.constant 0 : index
    %get3A_16 = vector.load %arg6[%get3A_14, %get3A_15] : memref<160x20xf32, #tpu.memory_space<vmem>>, vector<160x20xf32>
    %dot_general3A = arith.constant dense<0.000000e+00> : vector<512x20xf32>
    %dot_general3A_17 = tpu.matmul %concatenate3A, %get3A_16, %dot_general3A {dimension_numbers = #tpu.dot_dimension_numbers<[1], [0], [0], [1], [0, 0, 1, 1], [], []>, transpose_lhs_hint = false} : vector<512x160xf32>, vector<160x20xf32>, vector<512x20xf32> -> vector<512x20xf32>
    %get3A_18 = arith.constant 0 : index
    %get3A_19 = arith.constant 0 : index
    %get3A_20 = vector.load %arg7[%get3A_18, %get3A_19] : memref<1x20xf32, #tpu.memory_space<vmem>>, vector<1x20xf32>
    %add3A = vector.broadcast %get3A_20 : vector<1x20xf32> to vector<512x20xf32>
    %add3A_21 = arith.addf %dot_general3A_17, %add3A : vector<512x20xf32>
    %max3A = arith.constant 0.000000e+00 : f32
    %max3A_22 = vector.broadcast %max3A : f32 to vector<512x20xf32>
    %max3A_23 = arith.maximumf %add3A_21, %max3A_22 : vector<512x20xf32>
    %get3A_24 = arith.constant 0 : index
    %get3A_25 = arith.constant 0 : index
    %get3A_26 = vector.load %arg8[%get3A_24, %get3A_25] : memref<20x16xf32, #tpu.memory_space<vmem>>, vector<20x16xf32>
    %dot_general3A_27 = arith.constant dense<0.000000e+00> : vector<512x16xf32>
    %dot_general3A_28 = tpu.matmul %max3A_23, %get3A_26, %dot_general3A_27 {dimension_numbers = #tpu.dot_dimension_numbers<[1], [0], [0], [1], [0, 0, 1, 1], [], []>, transpose_lhs_hint = false} : vector<512x20xf32>, vector<20x16xf32>, vector<512x16xf32> -> vector<512x16xf32>
    %get3A_29 = arith.constant 0 : index
    %get3A_30 = arith.constant 0 : index
    %get3A_31 = vector.load %arg9[%get3A_29, %get3A_30] : memref<1x16xf32, #tpu.memory_space<vmem>>, vector<1x16xf32>
    %add3A_32 = vector.broadcast %get3A_31 : vector<1x16xf32> to vector<512x16xf32>
    %add3A_33 = arith.addf %dot_general3A_28, %add3A_32 : vector<512x16xf32>
    %get3A_34 = arith.constant 0 : index
    %get3A_35 = arith.constant 0 : index
    %get3A_36 = vector.load %arg10[%get3A_34, %get3A_35] : memref<16x2048xf32, #tpu.memory_space<vmem>>, vector<16x2048xf32>
    %mul3A = arith.mulf %add3A_33, %add3A_33 : vector<512x16xf32>
    %reduce_sum3A = arith.constant dense<0.000000e+00> : vector<512xf32>
    %reduce_sum3A_37 = vector.multi_reduction <add>, %mul3A, %reduce_sum3A [1] : vector<512x16xf32> to vector<512xf32>
    %broadcast_in_dim3A = vector.shape_cast %reduce_sum3A_37 : vector<512xf32> to vector<512x1xf32>
    %mul3A_38 = arith.mulf %get3A_36, %get3A_36 : vector<16x2048xf32>
    %reduce_sum3A_39 = arith.constant dense<0.000000e+00> : vector<2048xf32>
    %reduce_sum3A_40 = vector.multi_reduction <add>, %mul3A_38, %reduce_sum3A_39 [0] : vector<16x2048xf32> to vector<2048xf32>
    %broadcast_in_dim3A_41 = vector.shape_cast %reduce_sum3A_40 : vector<2048xf32> to vector<1x2048xf32>
    %dot_general3A_42 = arith.constant dense<0.000000e+00> : vector<512x2048xf32>
    %dot_general3A_43 = tpu.matmul %add3A_33, %get3A_36, %dot_general3A_42 {dimension_numbers = #tpu.dot_dimension_numbers<[1], [0], [0], [1], [0, 0, 1, 1], [], []>, transpose_lhs_hint = false} : vector<512x16xf32>, vector<16x2048xf32>, vector<512x2048xf32> -> vector<512x2048xf32>
    %add3A_44 = vector.broadcast %broadcast_in_dim3A : vector<512x1xf32> to vector<512x2048xf32>
    %add3A_45 = vector.broadcast %broadcast_in_dim3A_41 : vector<1x2048xf32> to vector<512x2048xf32>
    %add3A_46 = arith.addf %add3A_44, %add3A_45 : vector<512x2048xf32>
    %mul3A_47 = arith.constant 2.000000e+00 : f32
    %mul3A_48 = vector.broadcast %mul3A_47 : f32 to vector<512x2048xf32>
    %mul3A_49 = arith.mulf %mul3A_48, %dot_general3A_43 : vector<512x2048xf32>
    %sub3A = arith.subf %add3A_46, %mul3A_49 : vector<512x2048xf32>
    %max3A_50 = arith.constant 0.000000e+00 : f32
    %max3A_51 = vector.broadcast %max3A_50 : f32 to vector<512x2048xf32>
    %max3A_52 = arith.maximumf %sub3A, %max3A_51 : vector<512x2048xf32>
    %add3A_53 = arith.constant 9.99999996E-13 : f32
    %add3A_54 = vector.broadcast %add3A_53 : f32 to vector<512x2048xf32>
    %add3A_55 = arith.addf %max3A_52, %add3A_54 : vector<512x2048xf32>
    %sqrt3A = math.sqrt %add3A_55 : vector<512x2048xf32>
    %neg3A = arith.constant 0.000000e+00 : f32
    %neg3A_56 = vector.broadcast %neg3A : f32 to vector<512x2048xf32>
    %neg3A_57 = arith.subf %neg3A_56, %sqrt3A : vector<512x2048xf32>
    %mul3A_58 = arith.constant 2.000000e-02 : f32
    %mul3A_59 = vector.broadcast %mul3A_58 : f32 to vector<512x2048xf32>
    %mul3A_60 = arith.mulf %neg3A_57, %mul3A_59 : vector<512x2048xf32>
    %exp3A = math.exp %mul3A_60 : vector<512x2048xf32>
    %iota3A = tpu.iota {dimensions = array<i32: 1>} : vector<512x2048xi32>
    %reduce_min3A = arith.constant dense<0x7F800000> : vector<512xf32>
    %reduce_min3A_61 = vector.multi_reduction <minimumf>, %exp3A, %reduce_min3A [1] : vector<512x2048xf32> to vector<512xf32>
    %broadcast_in_dim3A_62 = vector.shape_cast %reduce_min3A_61 : vector<512xf32> to vector<512x1xf32>
    %reduce_max3A = arith.constant dense<0xFF800000> : vector<512xf32>
    %reduce_max3A_63 = vector.multi_reduction <maximumf>, %exp3A, %reduce_max3A [1] : vector<512x2048xf32> to vector<512xf32>
    %broadcast_in_dim3A_64 = vector.shape_cast %reduce_max3A_63 : vector<512xf32> to vector<512x1xf32>
    %sub3A_65 = arith.subf %broadcast_in_dim3A_64, %broadcast_in_dim3A_62 : vector<512x1xf32>
    %max3A_66 = arith.constant 9.99999968E-21 : f32
    %max3A_67 = vector.broadcast %max3A_66 : f32 to vector<512x1xf32>
    %max3A_68 = arith.maximumf %sub3A_65, %max3A_67 : vector<512x1xf32>
    %div3A = arith.constant 0x497FFFE0 : f32
    %div3A_69 = vector.broadcast %div3A : f32 to vector<512x1xf32>
    %div3A_70 = arith.divf %div3A_69, %max3A_68 : vector<512x1xf32>
    %sub3A_71 = vector.broadcast %broadcast_in_dim3A_62 : vector<512x1xf32> to vector<512x2048xf32>
    %sub3A_72 = arith.subf %exp3A, %sub3A_71 : vector<512x2048xf32>
    %mul3A_73 = vector.broadcast %div3A_70 : vector<512x1xf32> to vector<512x2048xf32>
    %mul3A_74 = arith.mulf %sub3A_72, %mul3A_73 : vector<512x2048xf32>
    %convert_element_type3A = arith.fptosi %mul3A_74 : vector<512x2048xf32> to vector<512x2048xi32>
    %mul3A_75 = arith.constant 2048 : i32
    %mul3A_76 = vector.broadcast %mul3A_75 : i32 to vector<512x2048xi32>
    %mul3A_77 = arith.muli %convert_element_type3A, %mul3A_76 : vector<512x2048xi32>
    %sub3A_78 = arith.constant 2047 : i32
    %sub3A_79 = vector.broadcast %sub3A_78 : i32 to vector<512x2048xi32>
    %sub3A_80 = arith.subi %sub3A_79, %iota3A : vector<512x2048xi32>
    %add3A_81 = arith.addi %mul3A_77, %sub3A_80 : vector<512x2048xi32>
    %slice3A = vector.extract_strided_slice %add3A_81 {offsets = [0, 0], sizes = [512, 128], strides = [1, 1]} : vector<512x2048xi32> to vector<512x128xi32>
    %slice3A_82 = vector.extract_strided_slice %add3A_81 {offsets = [0, 128], sizes = [512, 128], strides = [1, 1]} : vector<512x2048xi32> to vector<512x128xi32>
    %max3A_83 = arith.maxsi %slice3A, %slice3A_82 : vector<512x128xi32>
    %slice3A_84 = vector.extract_strided_slice %add3A_81 {offsets = [0, 256], sizes = [512, 128], strides = [1, 1]} : vector<512x2048xi32> to vector<512x128xi32>
    %max3A_85 = arith.maxsi %max3A_83, %slice3A_84 : vector<512x128xi32>
    %slice3A_86 = vector.extract_strided_slice %add3A_81 {offsets = [0, 384], sizes = [512, 128], strides = [1, 1]} : vector<512x2048xi32> to vector<512x128xi32>
    %max3A_87 = arith.maxsi %max3A_85, %slice3A_86 : vector<512x128xi32>
    %slice3A_88 = vector.extract_strided_slice %add3A_81 {offsets = [0, 512], sizes = [512, 128], strides = [1, 1]} : vector<512x2048xi32> to vector<512x128xi32>
    %max3A_89 = arith.maxsi %max3A_87, %slice3A_88 : vector<512x128xi32>
    %slice3A_90 = vector.extract_strided_slice %add3A_81 {offsets = [0, 640], sizes = [512, 128], strides = [1, 1]} : vector<512x2048xi32> to vector<512x128xi32>
    %max3A_91 = arith.maxsi %max3A_89, %slice3A_90 : vector<512x128xi32>
    %slice3A_92 = vector.extract_strided_slice %add3A_81 {offsets = [0, 768], sizes = [512, 128], strides = [1, 1]} : vector<512x2048xi32> to vector<512x128xi32>
    %max3A_93 = arith.maxsi %max3A_91, %slice3A_92 : vector<512x128xi32>
    %slice3A_94 = vector.extract_strided_slice %add3A_81 {offsets = [0, 896], sizes = [512, 128], strides = [1, 1]} : vector<512x2048xi32> to vector<512x128xi32>
    %max3A_95 = arith.maxsi %max3A_93, %slice3A_94 : vector<512x128xi32>
    %slice3A_96 = vector.extract_strided_slice %add3A_81 {offsets = [0, 1024], sizes = [512, 128], strides = [1, 1]} : vector<512x2048xi32> to vector<512x128xi32>
    %max3A_97 = arith.maxsi %max3A_95, %slice3A_96 : vector<512x128xi32>
    %slice3A_98 = vector.extract_strided_slice %add3A_81 {offsets = [0, 1152], sizes = [512, 128], strides = [1, 1]} : vector<512x2048xi32> to vector<512x128xi32>
    %max3A_99 = arith.maxsi %max3A_97, %slice3A_98 : vector<512x128xi32>
    %slice3A_100 = vector.extract_strided_slice %add3A_81 {offsets = [0, 1280], sizes = [512, 128], strides = [1, 1]} : vector<512x2048xi32> to vector<512x128xi32>
    %max3A_101 = arith.maxsi %max3A_99, %slice3A_100 : vector<512x128xi32>
    %slice3A_102 = vector.extract_strided_slice %add3A_81 {offsets = [0, 1408], sizes = [512, 128], strides = [1, 1]} : vector<512x2048xi32> to vector<512x128xi32>
    %max3A_103 = arith.maxsi %max3A_101, %slice3A_102 : vector<512x128xi32>
    %slice3A_104 = vector.extract_strided_slice %add3A_81 {offsets = [0, 1536], sizes = [512, 128], strides = [1, 1]} : vector<512x2048xi32> to vector<512x128xi32>
    %max3A_105 = arith.maxsi %max3A_103, %slice3A_104 : vector<512x128xi32>
    %slice3A_106 = vector.extract_strided_slice %add3A_81 {offsets = [0, 1664], sizes = [512, 128], strides = [1, 1]} : vector<512x2048xi32> to vector<512x128xi32>
    %max3A_107 = arith.maxsi %max3A_105, %slice3A_106 : vector<512x128xi32>
    %slice3A_108 = vector.extract_strided_slice %add3A_81 {offsets = [0, 1792], sizes = [512, 128], strides = [1, 1]} : vector<512x2048xi32> to vector<512x128xi32>
    %max3A_109 = arith.maxsi %max3A_107, %slice3A_108 : vector<512x128xi32>
    %slice3A_110 = vector.extract_strided_slice %add3A_81 {offsets = [0, 1920], sizes = [512, 128], strides = [1, 1]} : vector<512x2048xi32> to vector<512x128xi32>
    %max3A_111 = arith.maxsi %max3A_109, %slice3A_110 : vector<512x128xi32>
    %reduce_max3A_112 = arith.constant dense<-2147483648> : vector<512xi32>
    %reduce_max3A_113 = vector.multi_reduction <maxsi>, %max3A_111, %reduce_max3A_112 [1] : vector<512x128xi32> to vector<512xi32>
    %broadcast_in_dim3A_114 = vector.shape_cast %reduce_max3A_113 : vector<512xi32> to vector<512x1xi32>
    %lt3A = vector.broadcast %broadcast_in_dim3A_114 : vector<512x1xi32> to vector<512x2048xi32>
    %lt3A_115 = arith.cmpi slt, %add3A_81, %lt3A : vector<512x2048xi32>
    %jit3A = arith.constant -1 : i32
    %broadcast_in_dim3A_116 = vector.broadcast %jit3A : i32 to vector<512x2048xi32>
    %select_n3A = arith.select %lt3A_115, %add3A_81, %broadcast_in_dim3A_116 : vector<512x2048xi1>, vector<512x2048xi32>
    %slice3A_117 = vector.extract_strided_slice %select_n3A {offsets = [0, 0], sizes = [512, 128], strides = [1, 1]} : vector<512x2048xi32> to vector<512x128xi32>
    %slice3A_118 = vector.extract_strided_slice %select_n3A {offsets = [0, 128], sizes = [512, 128], strides = [1, 1]} : vector<512x2048xi32> to vector<512x128xi32>
    %max3A_119 = arith.maxsi %slice3A_117, %slice3A_118 : vector<512x128xi32>
    %slice3A_120 = vector.extract_strided_slice %select_n3A {offsets = [0, 256], sizes = [512, 128], strides = [1, 1]} : vector<512x2048xi32> to vector<512x128xi32>
    %max3A_121 = arith.maxsi %max3A_119, %slice3A_120 : vector<512x128xi32>
    %slice3A_122 = vector.extract_strided_slice %select_n3A {offsets = [0, 384], sizes = [512, 128], strides = [1, 1]} : vector<512x2048xi32> to vector<512x128xi32>
    %max3A_123 = arith.maxsi %max3A_121, %slice3A_122 : vector<512x128xi32>
    %slice3A_124 = vector.extract_strided_slice %select_n3A {offsets = [0, 512], sizes = [512, 128], strides = [1, 1]} : vector<512x2048xi32> to vector<512x128xi32>
    %max3A_125 = arith.maxsi %max3A_123, %slice3A_124 : vector<512x128xi32>
    %slice3A_126 = vector.extract_strided_slice %select_n3A {offsets = [0, 640], sizes = [512, 128], strides = [1, 1]} : vector<512x2048xi32> to vector<512x128xi32>
    %max3A_127 = arith.maxsi %max3A_125, %slice3A_126 : vector<512x128xi32>
    %slice3A_128 = vector.extract_strided_slice %select_n3A {offsets = [0, 768], sizes = [512, 128], strides = [1, 1]} : vector<512x2048xi32> to vector<512x128xi32>
    %max3A_129 = arith.maxsi %max3A_127, %slice3A_128 : vector<512x128xi32>
    %slice3A_130 = vector.extract_strided_slice %select_n3A {offsets = [0, 896], sizes = [512, 128], strides = [1, 1]} : vector<512x2048xi32> to vector<512x128xi32>
    %max3A_131 = arith.maxsi %max3A_129, %slice3A_130 : vector<512x128xi32>
    %slice3A_132 = vector.extract_strided_slice %select_n3A {offsets = [0, 1024], sizes = [512, 128], strides = [1, 1]} : vector<512x2048xi32> to vector<512x128xi32>
    %max3A_133 = arith.maxsi %max3A_131, %slice3A_132 : vector<512x128xi32>
    %slice3A_134 = vector.extract_strided_slice %select_n3A {offsets = [0, 1152], sizes = [512, 128], strides = [1, 1]} : vector<512x2048xi32> to vector<512x128xi32>
    %max3A_135 = arith.maxsi %max3A_133, %slice3A_134 : vector<512x128xi32>
    %slice3A_136 = vector.extract_strided_slice %select_n3A {offsets = [0, 1280], sizes = [512, 128], strides = [1, 1]} : vector<512x2048xi32> to vector<512x128xi32>
    %max3A_137 = arith.maxsi %max3A_135, %slice3A_136 : vector<512x128xi32>
    %slice3A_138 = vector.extract_strided_slice %select_n3A {offsets = [0, 1408], sizes = [512, 128], strides = [1, 1]} : vector<512x2048xi32> to vector<512x128xi32>
    %max3A_139 = arith.maxsi %max3A_137, %slice3A_138 : vector<512x128xi32>
    %slice3A_140 = vector.extract_strided_slice %select_n3A {offsets = [0, 1536], sizes = [512, 128], strides = [1, 1]} : vector<512x2048xi32> to vector<512x128xi32>
    %max3A_141 = arith.maxsi %max3A_139, %slice3A_140 : vector<512x128xi32>
    %slice3A_142 = vector.extract_strided_slice %select_n3A {offsets = [0, 1664], sizes = [512, 128], strides = [1, 1]} : vector<512x2048xi32> to vector<512x128xi32>
    %max3A_143 = arith.maxsi %max3A_141, %slice3A_142 : vector<512x128xi32>
    %slice3A_144 = vector.extract_strided_slice %select_n3A {offsets = [0, 1792], sizes = [512, 128], strides = [1, 1]} : vector<512x2048xi32> to vector<512x128xi32>
    %max3A_145 = arith.maxsi %max3A_143, %slice3A_144 : vector<512x128xi32>
    %slice3A_146 = vector.extract_strided_slice %select_n3A {offsets = [0, 1920], sizes = [512, 128], strides = [1, 1]} : vector<512x2048xi32> to vector<512x128xi32>
    %max3A_147 = arith.maxsi %max3A_145, %slice3A_146 : vector<512x128xi32>
    %reduce_max3A_148 = arith.constant dense<-2147483648> : vector<512xi32>
    %reduce_max3A_149 = vector.multi_reduction <maxsi>, %max3A_147, %reduce_max3A_148 [1] : vector<512x128xi32> to vector<512xi32>
    %broadcast_in_dim3A_150 = vector.shape_cast %reduce_max3A_149 : vector<512xi32> to vector<512x1xi32>
    %lt3A_151 = vector.broadcast %broadcast_in_dim3A_150 : vector<512x1xi32> to vector<512x2048xi32>
    %lt3A_152 = arith.cmpi slt, %add3A_81, %lt3A_151 : vector<512x2048xi32>
    %jit3A_153 = arith.constant -1 : i32
    %broadcast_in_dim3A_154 = vector.broadcast %jit3A_153 : i32 to vector<512x2048xi32>
    %select_n3A_155 = arith.select %lt3A_152, %add3A_81, %broadcast_in_dim3A_154 : vector<512x2048xi1>, vector<512x2048xi32>
    %slice3A_156 = vector.extract_strided_slice %select_n3A_155 {offsets = [0, 0], sizes = [512, 128], strides = [1, 1]} : vector<512x2048xi32> to vector<512x128xi32>
    %slice3A_157 = vector.extract_strided_slice %select_n3A_155 {offsets = [0, 128], sizes = [512, 128], strides = [1, 1]} : vector<512x2048xi32> to vector<512x128xi32>
    %max3A_158 = arith.maxsi %slice3A_156, %slice3A_157 : vector<512x128xi32>
    %slice3A_159 = vector.extract_strided_slice %select_n3A_155 {offsets = [0, 256], sizes = [512, 128], strides = [1, 1]} : vector<512x2048xi32> to vector<512x128xi32>
    %max3A_160 = arith.maxsi %max3A_158, %slice3A_159 : vector<512x128xi32>
    %slice3A_161 = vector.extract_strided_slice %select_n3A_155 {offsets = [0, 384], sizes = [512, 128], strides = [1, 1]} : vector<512x2048xi32> to vector<512x128xi32>
    %max3A_162 = arith.maxsi %max3A_160, %slice3A_161 : vector<512x128xi32>
    %slice3A_163 = vector.extract_strided_slice %select_n3A_155 {offsets = [0, 512], sizes = [512, 128], strides = [1, 1]} : vector<512x2048xi32> to vector<512x128xi32>
    %max3A_164 = arith.maxsi %max3A_162, %slice3A_163 : vector<512x128xi32>
    %slice3A_165 = vector.extract_strided_slice %select_n3A_155 {offsets = [0, 640], sizes = [512, 128], strides = [1, 1]} : vector<512x2048xi32> to vector<512x128xi32>
    %max3A_166 = arith.maxsi %max3A_164, %slice3A_165 : vector<512x128xi32>
    %slice3A_167 = vector.extract_strided_slice %select_n3A_155 {offsets = [0, 768], sizes = [512, 128], strides = [1, 1]} : vector<512x2048xi32> to vector<512x128xi32>
    %max3A_168 = arith.maxsi %max3A_166, %slice3A_167 : vector<512x128xi32>
    %slice3A_169 = vector.extract_strided_slice %select_n3A_155 {offsets = [0, 896], sizes = [512, 128], strides = [1, 1]} : vector<512x2048xi32> to vector<512x128xi32>
    %max3A_170 = arith.maxsi %max3A_168, %slice3A_169 : vector<512x128xi32>
    %slice3A_171 = vector.extract_strided_slice %select_n3A_155 {offsets = [0, 1024], sizes = [512, 128], strides = [1, 1]} : vector<512x2048xi32> to vector<512x128xi32>
    %max3A_172 = arith.maxsi %max3A_170, %slice3A_171 : vector<512x128xi32>
    %slice3A_173 = vector.extract_strided_slice %select_n3A_155 {offsets = [0, 1152], sizes = [512, 128], strides = [1, 1]} : vector<512x2048xi32> to vector<512x128xi32>
    %max3A_174 = arith.maxsi %max3A_172, %slice3A_173 : vector<512x128xi32>
    %slice3A_175 = vector.extract_strided_slice %select_n3A_155 {offsets = [0, 1280], sizes = [512, 128], strides = [1, 1]} : vector<512x2048xi32> to vector<512x128xi32>
    %max3A_176 = arith.maxsi %max3A_174, %slice3A_175 : vector<512x128xi32>
    %slice3A_177 = vector.extract_strided_slice %select_n3A_155 {offsets = [0, 1408], sizes = [512, 128], strides = [1, 1]} : vector<512x2048xi32> to vector<512x128xi32>
    %max3A_178 = arith.maxsi %max3A_176, %slice3A_177 : vector<512x128xi32>
    %slice3A_179 = vector.extract_strided_slice %select_n3A_155 {offsets = [0, 1536], sizes = [512, 128], strides = [1, 1]} : vector<512x2048xi32> to vector<512x128xi32>
    %max3A_180 = arith.maxsi %max3A_178, %slice3A_179 : vector<512x128xi32>
    %slice3A_181 = vector.extract_strided_slice %select_n3A_155 {offsets = [0, 1664], sizes = [512, 128], strides = [1, 1]} : vector<512x2048xi32> to vector<512x128xi32>
    %max3A_182 = arith.maxsi %max3A_180, %slice3A_181 : vector<512x128xi32>
    %slice3A_183 = vector.extract_strided_slice %select_n3A_155 {offsets = [0, 1792], sizes = [512, 128], strides = [1, 1]} : vector<512x2048xi32> to vector<512x128xi32>
    %max3A_184 = arith.maxsi %max3A_182, %slice3A_183 : vector<512x128xi32>
    %slice3A_185 = vector.extract_strided_slice %select_n3A_155 {offsets = [0, 1920], sizes = [512, 128], strides = [1, 1]} : vector<512x2048xi32> to vector<512x128xi32>
    %max3A_186 = arith.maxsi %max3A_184, %slice3A_185 : vector<512x128xi32>
    %reduce_max3A_187 = arith.constant dense<-2147483648> : vector<512xi32>
    %reduce_max3A_188 = vector.multi_reduction <maxsi>, %max3A_186, %reduce_max3A_187 [1] : vector<512x128xi32> to vector<512xi32>
    %broadcast_in_dim3A_189 = vector.shape_cast %reduce_max3A_188 : vector<512xi32> to vector<512x1xi32>
    %lt3A_190 = vector.broadcast %broadcast_in_dim3A_189 : vector<512x1xi32> to vector<512x2048xi32>
    %lt3A_191 = arith.cmpi slt, %add3A_81, %lt3A_190 : vector<512x2048xi32>
    %jit3A_192 = arith.constant -1 : i32
    %broadcast_in_dim3A_193 = vector.broadcast %jit3A_192 : i32 to vector<512x2048xi32>
    %select_n3A_194 = arith.select %lt3A_191, %add3A_81, %broadcast_in_dim3A_193 : vector<512x2048xi1>, vector<512x2048xi32>
    %slice3A_195 = vector.extract_strided_slice %select_n3A_194 {offsets = [0, 0], sizes = [512, 128], strides = [1, 1]} : vector<512x2048xi32> to vector<512x128xi32>
    %slice3A_196 = vector.extract_strided_slice %select_n3A_194 {offsets = [0, 128], sizes = [512, 128], strides = [1, 1]} : vector<512x2048xi32> to vector<512x128xi32>
    %max3A_197 = arith.maxsi %slice3A_195, %slice3A_196 : vector<512x128xi32>
    %slice3A_198 = vector.extract_strided_slice %select_n3A_194 {offsets = [0, 256], sizes = [512, 128], strides = [1, 1]} : vector<512x2048xi32> to vector<512x128xi32>
    %max3A_199 = arith.maxsi %max3A_197, %slice3A_198 : vector<512x128xi32>
    %slice3A_200 = vector.extract_strided_slice %select_n3A_194 {offsets = [0, 384], sizes = [512, 128], strides = [1, 1]} : vector<512x2048xi32> to vector<512x128xi32>
    %max3A_201 = arith.maxsi %max3A_199, %slice3A_200 : vector<512x128xi32>
    %slice3A_202 = vector.extract_strided_slice %select_n3A_194 {offsets = [0, 512], sizes = [512, 128], strides = [1, 1]} : vector<512x2048xi32> to vector<512x128xi32>
    %max3A_203 = arith.maxsi %max3A_201, %slice3A_202 : vector<512x128xi32>
    %slice3A_204 = vector.extract_strided_slice %select_n3A_194 {offsets = [0, 640], sizes = [512, 128], strides = [1, 1]} : vector<512x2048xi32> to vector<512x128xi32>
    %max3A_205 = arith.maxsi %max3A_203, %slice3A_204 : vector<512x128xi32>
    %slice3A_206 = vector.extract_strided_slice %select_n3A_194 {offsets = [0, 768], sizes = [512, 128], strides = [1, 1]} : vector<512x2048xi32> to vector<512x128xi32>
    %max3A_207 = arith.maxsi %max3A_205, %slice3A_206 : vector<512x128xi32>
    %slice3A_208 = vector.extract_strided_slice %select_n3A_194 {offsets = [0, 896], sizes = [512, 128], strides = [1, 1]} : vector<512x2048xi32> to vector<512x128xi32>
    %max3A_209 = arith.maxsi %max3A_207, %slice3A_208 : vector<512x128xi32>
    %slice3A_210 = vector.extract_strided_slice %select_n3A_194 {offsets = [0, 1024], sizes = [512, 128], strides = [1, 1]} : vector<512x2048xi32> to vector<512x128xi32>
    %max3A_211 = arith.maxsi %max3A_209, %slice3A_210 : vector<512x128xi32>
    %slice3A_212 = vector.extract_strided_slice %select_n3A_194 {offsets = [0, 1152], sizes = [512, 128], strides = [1, 1]} : vector<512x2048xi32> to vector<512x128xi32>
    %max3A_213 = arith.maxsi %max3A_211, %slice3A_212 : vector<512x128xi32>
    %slice3A_214 = vector.extract_strided_slice %select_n3A_194 {offsets = [0, 1280], sizes = [512, 128], strides = [1, 1]} : vector<512x2048xi32> to vector<512x128xi32>
    %max3A_215 = arith.maxsi %max3A_213, %slice3A_214 : vector<512x128xi32>
    %slice3A_216 = vector.extract_strided_slice %select_n3A_194 {offsets = [0, 1408], sizes = [512, 128], strides = [1, 1]} : vector<512x2048xi32> to vector<512x128xi32>
    %max3A_217 = arith.maxsi %max3A_215, %slice3A_216 : vector<512x128xi32>
    %slice3A_218 = vector.extract_strided_slice %select_n3A_194 {offsets = [0, 1536], sizes = [512, 128], strides = [1, 1]} : vector<512x2048xi32> to vector<512x128xi32>
    %max3A_219 = arith.maxsi %max3A_217, %slice3A_218 : vector<512x128xi32>
    %slice3A_220 = vector.extract_strided_slice %select_n3A_194 {offsets = [0, 1664], sizes = [512, 128], strides = [1, 1]} : vector<512x2048xi32> to vector<512x128xi32>
    %max3A_221 = arith.maxsi %max3A_219, %slice3A_220 : vector<512x128xi32>
    %slice3A_222 = vector.extract_strided_slice %select_n3A_194 {offsets = [0, 1792], sizes = [512, 128], strides = [1, 1]} : vector<512x2048xi32> to vector<512x128xi32>
    %max3A_223 = arith.maxsi %max3A_221, %slice3A_222 : vector<512x128xi32>
    %slice3A_224 = vector.extract_strided_slice %select_n3A_194 {offsets = [0, 1920], sizes = [512, 128], strides = [1, 1]} : vector<512x2048xi32> to vector<512x128xi32>
    %max3A_225 = arith.maxsi %max3A_223, %slice3A_224 : vector<512x128xi32>
    %reduce_max3A_226 = arith.constant dense<-2147483648> : vector<512xi32>
    %reduce_max3A_227 = vector.multi_reduction <maxsi>, %max3A_225, %reduce_max3A_226 [1] : vector<512x128xi32> to vector<512xi32>
    %broadcast_in_dim3A_228 = vector.shape_cast %reduce_max3A_227 : vector<512xi32> to vector<512x1xi32>
    %lt3A_229 = vector.broadcast %broadcast_in_dim3A_228 : vector<512x1xi32> to vector<512x2048xi32>
    %lt3A_230 = arith.cmpi slt, %add3A_81, %lt3A_229 : vector<512x2048xi32>
    %jit3A_231 = arith.constant -1 : i32
    %broadcast_in_dim3A_232 = vector.broadcast %jit3A_231 : i32 to vector<512x2048xi32>
    %select_n3A_233 = arith.select %lt3A_230, %add3A_81, %broadcast_in_dim3A_232 : vector<512x2048xi1>, vector<512x2048xi32>
    %slice3A_234 = vector.extract_strided_slice %select_n3A_233 {offsets = [0, 0], sizes = [512, 128], strides = [1, 1]} : vector<512x2048xi32> to vector<512x128xi32>
    %slice3A_235 = vector.extract_strided_slice %select_n3A_233 {offsets = [0, 128], sizes = [512, 128], strides = [1, 1]} : vector<512x2048xi32> to vector<512x128xi32>
    %max3A_236 = arith.maxsi %slice3A_234, %slice3A_235 : vector<512x128xi32>
    %slice3A_237 = vector.extract_strided_slice %select_n3A_233 {offsets = [0, 256], sizes = [512, 128], strides = [1, 1]} : vector<512x2048xi32> to vector<512x128xi32>
    %max3A_238 = arith.maxsi %max3A_236, %slice3A_237 : vector<512x128xi32>
    %slice3A_239 = vector.extract_strided_slice %select_n3A_233 {offsets = [0, 384], sizes = [512, 128], strides = [1, 1]} : vector<512x2048xi32> to vector<512x128xi32>
    %max3A_240 = arith.maxsi %max3A_238, %slice3A_239 : vector<512x128xi32>
    %slice3A_241 = vector.extract_strided_slice %select_n3A_233 {offsets = [0, 512], sizes = [512, 128], strides = [1, 1]} : vector<512x2048xi32> to vector<512x128xi32>
    %max3A_242 = arith.maxsi %max3A_240, %slice3A_241 : vector<512x128xi32>
    %slice3A_243 = vector.extract_strided_slice %select_n3A_233 {offsets = [0, 640], sizes = [512, 128], strides = [1, 1]} : vector<512x2048xi32> to vector<512x128xi32>
    %max3A_244 = arith.maxsi %max3A_242, %slice3A_243 : vector<512x128xi32>
    %slice3A_245 = vector.extract_strided_slice %select_n3A_233 {offsets = [0, 768], sizes = [512, 128], strides = [1, 1]} : vector<512x2048xi32> to vector<512x128xi32>
    %max3A_246 = arith.maxsi %max3A_244, %slice3A_245 : vector<512x128xi32>
    %slice3A_247 = vector.extract_strided_slice %select_n3A_233 {offsets = [0, 896], sizes = [512, 128], strides = [1, 1]} : vector<512x2048xi32> to vector<512x128xi32>
    %max3A_248 = arith.maxsi %max3A_246, %slice3A_247 : vector<512x128xi32>
    %slice3A_249 = vector.extract_strided_slice %select_n3A_233 {offsets = [0, 1024], sizes = [512, 128], strides = [1, 1]} : vector<512x2048xi32> to vector<512x128xi32>
    %max3A_250 = arith.maxsi %max3A_248, %slice3A_249 : vector<512x128xi32>
    %slice3A_251 = vector.extract_strided_slice %select_n3A_233 {offsets = [0, 1152], sizes = [512, 128], strides = [1, 1]} : vector<512x2048xi32> to vector<512x128xi32>
    %max3A_252 = arith.maxsi %max3A_250, %slice3A_251 : vector<512x128xi32>
    %slice3A_253 = vector.extract_strided_slice %select_n3A_233 {offsets = [0, 1280], sizes = [512, 128], strides = [1, 1]} : vector<512x2048xi32> to vector<512x128xi32>
    %max3A_254 = arith.maxsi %max3A_252, %slice3A_253 : vector<512x128xi32>
    %slice3A_255 = vector.extract_strided_slice %select_n3A_233 {offsets = [0, 1408], sizes = [512, 128], strides = [1, 1]} : vector<512x2048xi32> to vector<512x128xi32>
    %max3A_256 = arith.maxsi %max3A_254, %slice3A_255 : vector<512x128xi32>
    %slice3A_257 = vector.extract_strided_slice %select_n3A_233 {offsets = [0, 1536], sizes = [512, 128], strides = [1, 1]} : vector<512x2048xi32> to vector<512x128xi32>
    %max3A_258 = arith.maxsi %max3A_256, %slice3A_257 : vector<512x128xi32>
    %slice3A_259 = vector.extract_strided_slice %select_n3A_233 {offsets = [0, 1664], sizes = [512, 128], strides = [1, 1]} : vector<512x2048xi32> to vector<512x128xi32>
    %max3A_260 = arith.maxsi %max3A_258, %slice3A_259 : vector<512x128xi32>
    %slice3A_261 = vector.extract_strided_slice %select_n3A_233 {offsets = [0, 1792], sizes = [512, 128], strides = [1, 1]} : vector<512x2048xi32> to vector<512x128xi32>
    %max3A_262 = arith.maxsi %max3A_260, %slice3A_261 : vector<512x128xi32>
    %slice3A_263 = vector.extract_strided_slice %select_n3A_233 {offsets = [0, 1920], sizes = [512, 128], strides = [1, 1]} : vector<512x2048xi32> to vector<512x128xi32>
    %max3A_264 = arith.maxsi %max3A_262, %slice3A_263 : vector<512x128xi32>
    %reduce_max3A_265 = arith.constant dense<-2147483648> : vector<512xi32>
    %reduce_max3A_266 = vector.multi_reduction <maxsi>, %max3A_264, %reduce_max3A_265 [1] : vector<512x128xi32> to vector<512xi32>
    %broadcast_in_dim3A_267 = vector.shape_cast %reduce_max3A_266 : vector<512xi32> to vector<512x1xi32>
    %lt3A_268 = vector.broadcast %broadcast_in_dim3A_267 : vector<512x1xi32> to vector<512x2048xi32>
    %lt3A_269 = arith.cmpi slt, %add3A_81, %lt3A_268 : vector<512x2048xi32>
    %jit3A_270 = arith.constant -1 : i32
    %broadcast_in_dim3A_271 = vector.broadcast %jit3A_270 : i32 to vector<512x2048xi32>
    %select_n3A_272 = arith.select %lt3A_269, %add3A_81, %broadcast_in_dim3A_271 : vector<512x2048xi1>, vector<512x2048xi32>
    %slice3A_273 = vector.extract_strided_slice %select_n3A_272 {offsets = [0, 0], sizes = [512, 128], strides = [1, 1]} : vector<512x2048xi32> to vector<512x128xi32>
    %slice3A_274 = vector.extract_strided_slice %select_n3A_272 {offsets = [0, 128], sizes = [512, 128], strides = [1, 1]} : vector<512x2048xi32> to vector<512x128xi32>
    %max3A_275 = arith.maxsi %slice3A_273, %slice3A_274 : vector<512x128xi32>
    %slice3A_276 = vector.extract_strided_slice %select_n3A_272 {offsets = [0, 256], sizes = [512, 128], strides = [1, 1]} : vector<512x2048xi32> to vector<512x128xi32>
    %max3A_277 = arith.maxsi %max3A_275, %slice3A_276 : vector<512x128xi32>
    %slice3A_278 = vector.extract_strided_slice %select_n3A_272 {offsets = [0, 384], sizes = [512, 128], strides = [1, 1]} : vector<512x2048xi32> to vector<512x128xi32>
    %max3A_279 = arith.maxsi %max3A_277, %slice3A_278 : vector<512x128xi32>
    %slice3A_280 = vector.extract_strided_slice %select_n3A_272 {offsets = [0, 512], sizes = [512, 128], strides = [1, 1]} : vector<512x2048xi32> to vector<512x128xi32>
    %max3A_281 = arith.maxsi %max3A_279, %slice3A_280 : vector<512x128xi32>
    %slice3A_282 = vector.extract_strided_slice %select_n3A_272 {offsets = [0, 640], sizes = [512, 128], strides = [1, 1]} : vector<512x2048xi32> to vector<512x128xi32>
    %max3A_283 = arith.maxsi %max3A_281, %slice3A_282 : vector<512x128xi32>
    %slice3A_284 = vector.extract_strided_slice %select_n3A_272 {offsets = [0, 768], sizes = [512, 128], strides = [1, 1]} : vector<512x2048xi32> to vector<512x128xi32>
    %max3A_285 = arith.maxsi %max3A_283, %slice3A_284 : vector<512x128xi32>
    %slice3A_286 = vector.extract_strided_slice %select_n3A_272 {offsets = [0, 896], sizes = [512, 128], strides = [1, 1]} : vector<512x2048xi32> to vector<512x128xi32>
    %max3A_287 = arith.maxsi %max3A_285, %slice3A_286 : vector<512x128xi32>
    %slice3A_288 = vector.extract_strided_slice %select_n3A_272 {offsets = [0, 1024], sizes = [512, 128], strides = [1, 1]} : vector<512x2048xi32> to vector<512x128xi32>
    %max3A_289 = arith.maxsi %max3A_287, %slice3A_288 : vector<512x128xi32>
    %slice3A_290 = vector.extract_strided_slice %select_n3A_272 {offsets = [0, 1152], sizes = [512, 128], strides = [1, 1]} : vector<512x2048xi32> to vector<512x128xi32>
    %max3A_291 = arith.maxsi %max3A_289, %slice3A_290 : vector<512x128xi32>
    %slice3A_292 = vector.extract_strided_slice %select_n3A_272 {offsets = [0, 1280], sizes = [512, 128], strides = [1, 1]} : vector<512x2048xi32> to vector<512x128xi32>
    %max3A_293 = arith.maxsi %max3A_291, %slice3A_292 : vector<512x128xi32>
    %slice3A_294 = vector.extract_strided_slice %select_n3A_272 {offsets = [0, 1408], sizes = [512, 128], strides = [1, 1]} : vector<512x2048xi32> to vector<512x128xi32>
    %max3A_295 = arith.maxsi %max3A_293, %slice3A_294 : vector<512x128xi32>
    %slice3A_296 = vector.extract_strided_slice %select_n3A_272 {offsets = [0, 1536], sizes = [512, 128], strides = [1, 1]} : vector<512x2048xi32> to vector<512x128xi32>
    %max3A_297 = arith.maxsi %max3A_295, %slice3A_296 : vector<512x128xi32>
    %slice3A_298 = vector.extract_strided_slice %select_n3A_272 {offsets = [0, 1664], sizes = [512, 128], strides = [1, 1]} : vector<512x2048xi32> to vector<512x128xi32>
    %max3A_299 = arith.maxsi %max3A_297, %slice3A_298 : vector<512x128xi32>
    %slice3A_300 = vector.extract_strided_slice %select_n3A_272 {offsets = [0, 1792], sizes = [512, 128], strides = [1, 1]} : vector<512x2048xi32> to vector<512x128xi32>
    %max3A_301 = arith.maxsi %max3A_299, %slice3A_300 : vector<512x128xi32>
    %slice3A_302 = vector.extract_strided_slice %select_n3A_272 {offsets = [0, 1920], sizes = [512, 128], strides = [1, 1]} : vector<512x2048xi32> to vector<512x128xi32>
    %max3A_303 = arith.maxsi %max3A_301, %slice3A_302 : vector<512x128xi32>
    %reduce_max3A_304 = arith.constant dense<-2147483648> : vector<512xi32>
    %reduce_max3A_305 = vector.multi_reduction <maxsi>, %max3A_303, %reduce_max3A_304 [1] : vector<512x128xi32> to vector<512xi32>
    %broadcast_in_dim3A_306 = vector.shape_cast %reduce_max3A_305 : vector<512xi32> to vector<512x1xi32>
    %lt3A_307 = vector.broadcast %broadcast_in_dim3A_306 : vector<512x1xi32> to vector<512x2048xi32>
    %lt3A_308 = arith.cmpi slt, %add3A_81, %lt3A_307 : vector<512x2048xi32>
    %jit3A_309 = arith.constant -1 : i32
    %broadcast_in_dim3A_310 = vector.broadcast %jit3A_309 : i32 to vector<512x2048xi32>
    %select_n3A_311 = arith.select %lt3A_308, %add3A_81, %broadcast_in_dim3A_310 : vector<512x2048xi1>, vector<512x2048xi32>
    %slice3A_312 = vector.extract_strided_slice %select_n3A_311 {offsets = [0, 0], sizes = [512, 128], strides = [1, 1]} : vector<512x2048xi32> to vector<512x128xi32>
    %slice3A_313 = vector.extract_strided_slice %select_n3A_311 {offsets = [0, 128], sizes = [512, 128], strides = [1, 1]} : vector<512x2048xi32> to vector<512x128xi32>
    %max3A_314 = arith.maxsi %slice3A_312, %slice3A_313 : vector<512x128xi32>
    %slice3A_315 = vector.extract_strided_slice %select_n3A_311 {offsets = [0, 256], sizes = [512, 128], strides = [1, 1]} : vector<512x2048xi32> to vector<512x128xi32>
    %max3A_316 = arith.maxsi %max3A_314, %slice3A_315 : vector<512x128xi32>
    %slice3A_317 = vector.extract_strided_slice %select_n3A_311 {offsets = [0, 384], sizes = [512, 128], strides = [1, 1]} : vector<512x2048xi32> to vector<512x128xi32>
    %max3A_318 = arith.maxsi %max3A_316, %slice3A_317 : vector<512x128xi32>
    %slice3A_319 = vector.extract_strided_slice %select_n3A_311 {offsets = [0, 512], sizes = [512, 128], strides = [1, 1]} : vector<512x2048xi32> to vector<512x128xi32>
    %max3A_320 = arith.maxsi %max3A_318, %slice3A_319 : vector<512x128xi32>
    %slice3A_321 = vector.extract_strided_slice %select_n3A_311 {offsets = [0, 640], sizes = [512, 128], strides = [1, 1]} : vector<512x2048xi32> to vector<512x128xi32>
    %max3A_322 = arith.maxsi %max3A_320, %slice3A_321 : vector<512x128xi32>
    %slice3A_323 = vector.extract_strided_slice %select_n3A_311 {offsets = [0, 768], sizes = [512, 128], strides = [1, 1]} : vector<512x2048xi32> to vector<512x128xi32>
    %max3A_324 = arith.maxsi %max3A_322, %slice3A_323 : vector<512x128xi32>
    %slice3A_325 = vector.extract_strided_slice %select_n3A_311 {offsets = [0, 896], sizes = [512, 128], strides = [1, 1]} : vector<512x2048xi32> to vector<512x128xi32>
    %max3A_326 = arith.maxsi %max3A_324, %slice3A_325 : vector<512x128xi32>
    %slice3A_327 = vector.extract_strided_slice %select_n3A_311 {offsets = [0, 1024], sizes = [512, 128], strides = [1, 1]} : vector<512x2048xi32> to vector<512x128xi32>
    %max3A_328 = arith.maxsi %max3A_326, %slice3A_327 : vector<512x128xi32>
    %slice3A_329 = vector.extract_strided_slice %select_n3A_311 {offsets = [0, 1152], sizes = [512, 128], strides = [1, 1]} : vector<512x2048xi32> to vector<512x128xi32>
    %max3A_330 = arith.maxsi %max3A_328, %slice3A_329 : vector<512x128xi32>
    %slice3A_331 = vector.extract_strided_slice %select_n3A_311 {offsets = [0, 1280], sizes = [512, 128], strides = [1, 1]} : vector<512x2048xi32> to vector<512x128xi32>
    %max3A_332 = arith.maxsi %max3A_330, %slice3A_331 : vector<512x128xi32>
    %slice3A_333 = vector.extract_strided_slice %select_n3A_311 {offsets = [0, 1408], sizes = [512, 128], strides = [1, 1]} : vector<512x2048xi32> to vector<512x128xi32>
    %max3A_334 = arith.maxsi %max3A_332, %slice3A_333 : vector<512x128xi32>
    %slice3A_335 = vector.extract_strided_slice %select_n3A_311 {offsets = [0, 1536], sizes = [512, 128], strides = [1, 1]} : vector<512x2048xi32> to vector<512x128xi32>
    %max3A_336 = arith.maxsi %max3A_334, %slice3A_335 : vector<512x128xi32>
    %slice3A_337 = vector.extract_strided_slice %select_n3A_311 {offsets = [0, 1664], sizes = [512, 128], strides = [1, 1]} : vector<512x2048xi32> to vector<512x128xi32>
    %max3A_338 = arith.maxsi %max3A_336, %slice3A_337 : vector<512x128xi32>
    %slice3A_339 = vector.extract_strided_slice %select_n3A_311 {offsets = [0, 1792], sizes = [512, 128], strides = [1, 1]} : vector<512x2048xi32> to vector<512x128xi32>
    %max3A_340 = arith.maxsi %max3A_338, %slice3A_339 : vector<512x128xi32>
    %slice3A_341 = vector.extract_strided_slice %select_n3A_311 {offsets = [0, 1920], sizes = [512, 128], strides = [1, 1]} : vector<512x2048xi32> to vector<512x128xi32>
    %max3A_342 = arith.maxsi %max3A_340, %slice3A_341 : vector<512x128xi32>
    %reduce_max3A_343 = arith.constant dense<-2147483648> : vector<512xi32>
    %reduce_max3A_344 = vector.multi_reduction <maxsi>, %max3A_342, %reduce_max3A_343 [1] : vector<512x128xi32> to vector<512xi32>
    %broadcast_in_dim3A_345 = vector.shape_cast %reduce_max3A_344 : vector<512xi32> to vector<512x1xi32>
    %lt3A_346 = vector.broadcast %broadcast_in_dim3A_345 : vector<512x1xi32> to vector<512x2048xi32>
    %lt3A_347 = arith.cmpi slt, %add3A_81, %lt3A_346 : vector<512x2048xi32>
    %jit3A_348 = arith.constant -1 : i32
    %broadcast_in_dim3A_349 = vector.broadcast %jit3A_348 : i32 to vector<512x2048xi32>
    %select_n3A_350 = arith.select %lt3A_347, %add3A_81, %broadcast_in_dim3A_349 : vector<512x2048xi1>, vector<512x2048xi32>
    %slice3A_351 = vector.extract_strided_slice %select_n3A_350 {offsets = [0, 0], sizes = [512, 128], strides = [1, 1]} : vector<512x2048xi32> to vector<512x128xi32>
    %slice3A_352 = vector.extract_strided_slice %select_n3A_350 {offsets = [0, 128], sizes = [512, 128], strides = [1, 1]} : vector<512x2048xi32> to vector<512x128xi32>
    %max3A_353 = arith.maxsi %slice3A_351, %slice3A_352 : vector<512x128xi32>
    %slice3A_354 = vector.extract_strided_slice %select_n3A_350 {offsets = [0, 256], sizes = [512, 128], strides = [1, 1]} : vector<512x2048xi32> to vector<512x128xi32>
    %max3A_355 = arith.maxsi %max3A_353, %slice3A_354 : vector<512x128xi32>
    %slice3A_356 = vector.extract_strided_slice %select_n3A_350 {offsets = [0, 384], sizes = [512, 128], strides = [1, 1]} : vector<512x2048xi32> to vector<512x128xi32>
    %max3A_357 = arith.maxsi %max3A_355, %slice3A_356 : vector<512x128xi32>
    %slice3A_358 = vector.extract_strided_slice %select_n3A_350 {offsets = [0, 512], sizes = [512, 128], strides = [1, 1]} : vector<512x2048xi32> to vector<512x128xi32>
    %max3A_359 = arith.maxsi %max3A_357, %slice3A_358 : vector<512x128xi32>
    %slice3A_360 = vector.extract_strided_slice %select_n3A_350 {offsets = [0, 640], sizes = [512, 128], strides = [1, 1]} : vector<512x2048xi32> to vector<512x128xi32>
    %max3A_361 = arith.maxsi %max3A_359, %slice3A_360 : vector<512x128xi32>
    %slice3A_362 = vector.extract_strided_slice %select_n3A_350 {offsets = [0, 768], sizes = [512, 128], strides = [1, 1]} : vector<512x2048xi32> to vector<512x128xi32>
    %max3A_363 = arith.maxsi %max3A_361, %slice3A_362 : vector<512x128xi32>
    %slice3A_364 = vector.extract_strided_slice %select_n3A_350 {offsets = [0, 896], sizes = [512, 128], strides = [1, 1]} : vector<512x2048xi32> to vector<512x128xi32>
    %max3A_365 = arith.maxsi %max3A_363, %slice3A_364 : vector<512x128xi32>
    %slice3A_366 = vector.extract_strided_slice %select_n3A_350 {offsets = [0, 1024], sizes = [512, 128], strides = [1, 1]} : vector<512x2048xi32> to vector<512x128xi32>
    %max3A_367 = arith.maxsi %max3A_365, %slice3A_366 : vector<512x128xi32>
    %slice3A_368 = vector.extract_strided_slice %select_n3A_350 {offsets = [0, 1152], sizes = [512, 128], strides = [1, 1]} : vector<512x2048xi32> to vector<512x128xi32>
    %max3A_369 = arith.maxsi %max3A_367, %slice3A_368 : vector<512x128xi32>
    %slice3A_370 = vector.extract_strided_slice %select_n3A_350 {offsets = [0, 1280], sizes = [512, 128], strides = [1, 1]} : vector<512x2048xi32> to vector<512x128xi32>
    %max3A_371 = arith.maxsi %max3A_369, %slice3A_370 : vector<512x128xi32>
    %slice3A_372 = vector.extract_strided_slice %select_n3A_350 {offsets = [0, 1408], sizes = [512, 128], strides = [1, 1]} : vector<512x2048xi32> to vector<512x128xi32>
    %max3A_373 = arith.maxsi %max3A_371, %slice3A_372 : vector<512x128xi32>
    %slice3A_374 = vector.extract_strided_slice %select_n3A_350 {offsets = [0, 1536], sizes = [512, 128], strides = [1, 1]} : vector<512x2048xi32> to vector<512x128xi32>
    %max3A_375 = arith.maxsi %max3A_373, %slice3A_374 : vector<512x128xi32>
    %slice3A_376 = vector.extract_strided_slice %select_n3A_350 {offsets = [0, 1664], sizes = [512, 128], strides = [1, 1]} : vector<512x2048xi32> to vector<512x128xi32>
    %max3A_377 = arith.maxsi %max3A_375, %slice3A_376 : vector<512x128xi32>
    %slice3A_378 = vector.extract_strided_slice %select_n3A_350 {offsets = [0, 1792], sizes = [512, 128], strides = [1, 1]} : vector<512x2048xi32> to vector<512x128xi32>
    %max3A_379 = arith.maxsi %max3A_377, %slice3A_378 : vector<512x128xi32>
    %slice3A_380 = vector.extract_strided_slice %select_n3A_350 {offsets = [0, 1920], sizes = [512, 128], strides = [1, 1]} : vector<512x2048xi32> to vector<512x128xi32>
    %max3A_381 = arith.maxsi %max3A_379, %slice3A_380 : vector<512x128xi32>
    %reduce_max3A_382 = arith.constant dense<-2147483648> : vector<512xi32>
    %reduce_max3A_383 = vector.multi_reduction <maxsi>, %max3A_381, %reduce_max3A_382 [1] : vector<512x128xi32> to vector<512xi32>
    %broadcast_in_dim3A_384 = vector.shape_cast %reduce_max3A_383 : vector<512xi32> to vector<512x1xi32>
    %lt3A_385 = vector.broadcast %broadcast_in_dim3A_384 : vector<512x1xi32> to vector<512x2048xi32>
    %lt3A_386 = arith.cmpi slt, %add3A_81, %lt3A_385 : vector<512x2048xi32>
    %jit3A_387 = arith.constant -1 : i32
    %broadcast_in_dim3A_388 = vector.broadcast %jit3A_387 : i32 to vector<512x2048xi32>
    %select_n3A_389 = arith.select %lt3A_386, %add3A_81, %broadcast_in_dim3A_388 : vector<512x2048xi1>, vector<512x2048xi32>
    %slice3A_390 = vector.extract_strided_slice %select_n3A_389 {offsets = [0, 0], sizes = [512, 128], strides = [1, 1]} : vector<512x2048xi32> to vector<512x128xi32>
    %slice3A_391 = vector.extract_strided_slice %select_n3A_389 {offsets = [0, 128], sizes = [512, 128], strides = [1, 1]} : vector<512x2048xi32> to vector<512x128xi32>
    %max3A_392 = arith.maxsi %slice3A_390, %slice3A_391 : vector<512x128xi32>
    %slice3A_393 = vector.extract_strided_slice %select_n3A_389 {offsets = [0, 256], sizes = [512, 128], strides = [1, 1]} : vector<512x2048xi32> to vector<512x128xi32>
    %max3A_394 = arith.maxsi %max3A_392, %slice3A_393 : vector<512x128xi32>
    %slice3A_395 = vector.extract_strided_slice %select_n3A_389 {offsets = [0, 384], sizes = [512, 128], strides = [1, 1]} : vector<512x2048xi32> to vector<512x128xi32>
    %max3A_396 = arith.maxsi %max3A_394, %slice3A_395 : vector<512x128xi32>
    %slice3A_397 = vector.extract_strided_slice %select_n3A_389 {offsets = [0, 512], sizes = [512, 128], strides = [1, 1]} : vector<512x2048xi32> to vector<512x128xi32>
    %max3A_398 = arith.maxsi %max3A_396, %slice3A_397 : vector<512x128xi32>
    %slice3A_399 = vector.extract_strided_slice %select_n3A_389 {offsets = [0, 640], sizes = [512, 128], strides = [1, 1]} : vector<512x2048xi32> to vector<512x128xi32>
    %max3A_400 = arith.maxsi %max3A_398, %slice3A_399 : vector<512x128xi32>
    %slice3A_401 = vector.extract_strided_slice %select_n3A_389 {offsets = [0, 768], sizes = [512, 128], strides = [1, 1]} : vector<512x2048xi32> to vector<512x128xi32>
    %max3A_402 = arith.maxsi %max3A_400, %slice3A_401 : vector<512x128xi32>
    %slice3A_403 = vector.extract_strided_slice %select_n3A_389 {offsets = [0, 896], sizes = [512, 128], strides = [1, 1]} : vector<512x2048xi32> to vector<512x128xi32>
    %max3A_404 = arith.maxsi %max3A_402, %slice3A_403 : vector<512x128xi32>
    %slice3A_405 = vector.extract_strided_slice %select_n3A_389 {offsets = [0, 1024], sizes = [512, 128], strides = [1, 1]} : vector<512x2048xi32> to vector<512x128xi32>
    %max3A_406 = arith.maxsi %max3A_404, %slice3A_405 : vector<512x128xi32>
    %slice3A_407 = vector.extract_strided_slice %select_n3A_389 {offsets = [0, 1152], sizes = [512, 128], strides = [1, 1]} : vector<512x2048xi32> to vector<512x128xi32>
    %max3A_408 = arith.maxsi %max3A_406, %slice3A_407 : vector<512x128xi32>
    %slice3A_409 = vector.extract_strided_slice %select_n3A_389 {offsets = [0, 1280], sizes = [512, 128], strides = [1, 1]} : vector<512x2048xi32> to vector<512x128xi32>
    %max3A_410 = arith.maxsi %max3A_408, %slice3A_409 : vector<512x128xi32>
    %slice3A_411 = vector.extract_strided_slice %select_n3A_389 {offsets = [0, 1408], sizes = [512, 128], strides = [1, 1]} : vector<512x2048xi32> to vector<512x128xi32>
    %max3A_412 = arith.maxsi %max3A_410, %slice3A_411 : vector<512x128xi32>
    %slice3A_413 = vector.extract_strided_slice %select_n3A_389 {offsets = [0, 1536], sizes = [512, 128], strides = [1, 1]} : vector<512x2048xi32> to vector<512x128xi32>
    %max3A_414 = arith.maxsi %max3A_412, %slice3A_413 : vector<512x128xi32>
    %slice3A_415 = vector.extract_strided_slice %select_n3A_389 {offsets = [0, 1664], sizes = [512, 128], strides = [1, 1]} : vector<512x2048xi32> to vector<512x128xi32>
    %max3A_416 = arith.maxsi %max3A_414, %slice3A_415 : vector<512x128xi32>
    %slice3A_417 = vector.extract_strided_slice %select_n3A_389 {offsets = [0, 1792], sizes = [512, 128], strides = [1, 1]} : vector<512x2048xi32> to vector<512x128xi32>
    %max3A_418 = arith.maxsi %max3A_416, %slice3A_417 : vector<512x128xi32>
    %slice3A_419 = vector.extract_strided_slice %select_n3A_389 {offsets = [0, 1920], sizes = [512, 128], strides = [1, 1]} : vector<512x2048xi32> to vector<512x128xi32>
    %max3A_420 = arith.maxsi %max3A_418, %slice3A_419 : vector<512x128xi32>
    %reduce_max3A_421 = arith.constant dense<-2147483648> : vector<512xi32>
    %reduce_max3A_422 = vector.multi_reduction <maxsi>, %max3A_420, %reduce_max3A_421 [1] : vector<512x128xi32> to vector<512xi32>
    %broadcast_in_dim3A_423 = vector.shape_cast %reduce_max3A_422 : vector<512xi32> to vector<512x1xi32>
    %lt3A_424 = vector.broadcast %broadcast_in_dim3A_423 : vector<512x1xi32> to vector<512x2048xi32>
    %lt3A_425 = arith.cmpi slt, %add3A_81, %lt3A_424 : vector<512x2048xi32>
    %jit3A_426 = arith.constant -1 : i32
    %broadcast_in_dim3A_427 = vector.broadcast %jit3A_426 : i32 to vector<512x2048xi32>
    %select_n3A_428 = arith.select %lt3A_425, %add3A_81, %broadcast_in_dim3A_427 : vector<512x2048xi1>, vector<512x2048xi32>
    %slice3A_429 = vector.extract_strided_slice %select_n3A_428 {offsets = [0, 0], sizes = [512, 128], strides = [1, 1]} : vector<512x2048xi32> to vector<512x128xi32>
    %slice3A_430 = vector.extract_strided_slice %select_n3A_428 {offsets = [0, 128], sizes = [512, 128], strides = [1, 1]} : vector<512x2048xi32> to vector<512x128xi32>
    %max3A_431 = arith.maxsi %slice3A_429, %slice3A_430 : vector<512x128xi32>
    %slice3A_432 = vector.extract_strided_slice %select_n3A_428 {offsets = [0, 256], sizes = [512, 128], strides = [1, 1]} : vector<512x2048xi32> to vector<512x128xi32>
    %max3A_433 = arith.maxsi %max3A_431, %slice3A_432 : vector<512x128xi32>
    %slice3A_434 = vector.extract_strided_slice %select_n3A_428 {offsets = [0, 384], sizes = [512, 128], strides = [1, 1]} : vector<512x2048xi32> to vector<512x128xi32>
    %max3A_435 = arith.maxsi %max3A_433, %slice3A_434 : vector<512x128xi32>
    %slice3A_436 = vector.extract_strided_slice %select_n3A_428 {offsets = [0, 512], sizes = [512, 128], strides = [1, 1]} : vector<512x2048xi32> to vector<512x128xi32>
    %max3A_437 = arith.maxsi %max3A_435, %slice3A_436 : vector<512x128xi32>
    %slice3A_438 = vector.extract_strided_slice %select_n3A_428 {offsets = [0, 640], sizes = [512, 128], strides = [1, 1]} : vector<512x2048xi32> to vector<512x128xi32>
    %max3A_439 = arith.maxsi %max3A_437, %slice3A_438 : vector<512x128xi32>
    %slice3A_440 = vector.extract_strided_slice %select_n3A_428 {offsets = [0, 768], sizes = [512, 128], strides = [1, 1]} : vector<512x2048xi32> to vector<512x128xi32>
    %max3A_441 = arith.maxsi %max3A_439, %slice3A_440 : vector<512x128xi32>
    %slice3A_442 = vector.extract_strided_slice %select_n3A_428 {offsets = [0, 896], sizes = [512, 128], strides = [1, 1]} : vector<512x2048xi32> to vector<512x128xi32>
    %max3A_443 = arith.maxsi %max3A_441, %slice3A_442 : vector<512x128xi32>
    %slice3A_444 = vector.extract_strided_slice %select_n3A_428 {offsets = [0, 1024], sizes = [512, 128], strides = [1, 1]} : vector<512x2048xi32> to vector<512x128xi32>
    %max3A_445 = arith.maxsi %max3A_443, %slice3A_444 : vector<512x128xi32>
    %slice3A_446 = vector.extract_strided_slice %select_n3A_428 {offsets = [0, 1152], sizes = [512, 128], strides = [1, 1]} : vector<512x2048xi32> to vector<512x128xi32>
    %max3A_447 = arith.maxsi %max3A_445, %slice3A_446 : vector<512x128xi32>
    %slice3A_448 = vector.extract_strided_slice %select_n3A_428 {offsets = [0, 1280], sizes = [512, 128], strides = [1, 1]} : vector<512x2048xi32> to vector<512x128xi32>
    %max3A_449 = arith.maxsi %max3A_447, %slice3A_448 : vector<512x128xi32>
    %slice3A_450 = vector.extract_strided_slice %select_n3A_428 {offsets = [0, 1408], sizes = [512, 128], strides = [1, 1]} : vector<512x2048xi32> to vector<512x128xi32>
    %max3A_451 = arith.maxsi %max3A_449, %slice3A_450 : vector<512x128xi32>
    %slice3A_452 = vector.extract_strided_slice %select_n3A_428 {offsets = [0, 1536], sizes = [512, 128], strides = [1, 1]} : vector<512x2048xi32> to vector<512x128xi32>
    %max3A_453 = arith.maxsi %max3A_451, %slice3A_452 : vector<512x128xi32>
    %slice3A_454 = vector.extract_strided_slice %select_n3A_428 {offsets = [0, 1664], sizes = [512, 128], strides = [1, 1]} : vector<512x2048xi32> to vector<512x128xi32>
    %max3A_455 = arith.maxsi %max3A_453, %slice3A_454 : vector<512x128xi32>
    %slice3A_456 = vector.extract_strided_slice %select_n3A_428 {offsets = [0, 1792], sizes = [512, 128], strides = [1, 1]} : vector<512x2048xi32> to vector<512x128xi32>
    %max3A_457 = arith.maxsi %max3A_455, %slice3A_456 : vector<512x128xi32>
    %slice3A_458 = vector.extract_strided_slice %select_n3A_428 {offsets = [0, 1920], sizes = [512, 128], strides = [1, 1]} : vector<512x2048xi32> to vector<512x128xi32>
    %max3A_459 = arith.maxsi %max3A_457, %slice3A_458 : vector<512x128xi32>
    %reduce_max3A_460 = arith.constant dense<-2147483648> : vector<512xi32>
    %reduce_max3A_461 = vector.multi_reduction <maxsi>, %max3A_459, %reduce_max3A_460 [1] : vector<512x128xi32> to vector<512xi32>
    %broadcast_in_dim3A_462 = vector.shape_cast %reduce_max3A_461 : vector<512xi32> to vector<512x1xi32>
    %ge3A = vector.broadcast %broadcast_in_dim3A_462 : vector<512x1xi32> to vector<512x2048xi32>
    %ge3A_463 = arith.cmpi sge, %add3A_81, %ge3A : vector<512x2048xi32>
    %sub3A_464 = arith.constant 1.000000e+00 : f32
    %sub3A_465 = vector.broadcast %sub3A_464 : f32 to vector<512x2048xf32>
    %sub3A_466 = arith.subf %exp3A, %sub3A_465 : vector<512x2048xf32>
    %exp3A_467 = math.exp %sub3A_466 : vector<512x2048xf32>
    %jit3A_468 = arith.constant 0.000000e+00 : f32
    %broadcast_in_dim3A_469 = vector.broadcast %jit3A_468 : f32 to vector<512x2048xf32>
    %select_n3A_470 = arith.select %ge3A_463, %exp3A_467, %broadcast_in_dim3A_469 : vector<512x2048xi1>, vector<512x2048xf32>
    %reduce_sum3A_471 = arith.constant dense<0.000000e+00> : vector<512xf32>
    %reduce_sum3A_472 = vector.multi_reduction <add>, %select_n3A_470, %reduce_sum3A_471 [1] : vector<512x2048xf32> to vector<512xf32>
    %broadcast_in_dim3A_473 = vector.shape_cast %reduce_sum3A_472 : vector<512xf32> to vector<512x1xf32>
    %add3A_474 = arith.constant 1.000000e+00 : f32
    %add3A_475 = vector.broadcast %add3A_474 : f32 to vector<512x1xf32>
    %add3A_476 = arith.addf %broadcast_in_dim3A_473, %add3A_475 : vector<512x1xf32>
    %dot_general3A_477 = arith.constant dense<0.000000e+00> : vector<512x16xf32>
    %dot_general3A_478 = tpu.matmul %select_n3A_470, %get3A_36, %dot_general3A_477 {dimension_numbers = #tpu.dot_dimension_numbers<[1], [1], [0], [0], [0, 0, 1, 0], [], []>, transpose_lhs_hint = false} : vector<512x2048xf32>, vector<16x2048xf32>, vector<512x16xf32> -> vector<512x16xf32>
    %get3A_479 = arith.constant 0 : index
    %get3A_480 = arith.constant 0 : index
    %get3A_481 = vector.load %arg11[%get3A_479, %get3A_480] : memref<512x16xf32, #tpu.memory_space<vmem>>, vector<512x16xf32>
    %add3A_482 = arith.addf %dot_general3A_478, %get3A_481 : vector<512x16xf32>
    %div3A_483 = vector.broadcast %add3A_476 : vector<512x1xf32> to vector<512x16xf32>
    %div3A_484 = arith.divf %add3A_482, %div3A_483 : vector<512x16xf32>
    %slice3A_485 = vector.extract_strided_slice %div3A_484 {offsets = [0, 0], sizes = [512, 10], strides = [1, 1]} : vector<512x16xf32> to vector<512x10xf32>
    %swap3A = arith.constant 0 : index
    %swap3A_486 = arith.constant 0 : index
    %swap3A_487 = vector.load %arg12[%swap3A, %swap3A_486] : memref<512x10xf32, #tpu.memory_space<vmem>>, vector<512x10xf32>
    tpu.vector_store %arg12[%swap3A, %swap3A_486], %slice3A_485 {strides = array<i32>} : memref<512x10xf32, #tpu.memory_space<vmem>>, vector<512x10xf32>,
    return
  }
  func.func @transform_0(%arg0: i32) -> (i32, i32) {
    %jit3A = arith.constant 2 : i32
    %div3A = arith.divsi %arg0, %jit3A : i32
    %sign3A = arith.constant 0 : i32
    %sign3A_0 = arith.cmpi sgt, %arg0, %sign3A : i32
    %sign3A_1 = arith.extui %sign3A_0 : i1 to i32
    %sign3A_2 = arith.constant 0 : i32
    %sign3A_3 = arith.cmpi slt, %arg0, %sign3A_2 : i32
    %sign3A_4 = arith.extui %sign3A_3 : i1 to i32
    %sign3A_5 = arith.subi %sign3A_1, %sign3A_4 : i32
    %sign3A_6 = arith.constant 0 : i32
    %sign3A_7 = arith.cmpi sgt, %jit3A, %sign3A_6 : i32
    %sign3A_8 = arith.extui %sign3A_7 : i1 to i32
    %sign3A_9 = arith.constant 0 : i32
    %sign3A_10 = arith.cmpi slt, %jit3A, %sign3A_9 : i32
    %sign3A_11 = arith.extui %sign3A_10 : i1 to i32
    %sign3A_12 = arith.subi %sign3A_8, %sign3A_11 : i32
    %ne3A = arith.cmpi ne, %sign3A_5, %sign3A_12 : i32
    %rem3A = arith.remsi %arg0, %jit3A : i32
    %ne3A_13 = arith.constant 0 : i32
    %ne3A_14 = arith.cmpi ne, %rem3A, %ne3A_13 : i32
    %and3A = arith.andi %ne3A, %ne3A_14 : i1
    %sub3A = arith.constant 1 : i32
    %sub3A_15 = arith.subi %div3A, %sub3A : i32
    %select_n3A = arith.select %and3A, %sub3A_15, %div3A : i32
    %lt3A = arith.constant 4 : i32
    %lt3A_16 = arith.cmpi slt, %select_n3A, %lt3A : i32
    %sub3A_17 = arith.constant 4 : i32
    %sub3A_18 = arith.subi %select_n3A, %sub3A_17 : i32
    %select_n3A_19 = arith.select %lt3A_16, %select_n3A, %sub3A_18 : i32
    %mul3A = arith.constant 2 : i32
    %mul3A_20 = arith.muli %select_n3A_19, %mul3A : i32
    %jit3A_21 = arith.constant 2 : i32
    %eq3A = arith.constant 0 : i32
    %eq3A_22 = arith.cmpi eq, %jit3A_21, %eq3A : i32
    %jit3A_23 = arith.constant 1 : i32
    %select_n3A_24 = arith.select %eq3A_22, %jit3A_23, %jit3A_21 : i32
    %rem3A_25 = arith.remsi %arg0, %select_n3A_24 : i32
    %ne3A_26 = arith.constant 0 : i32
    %ne3A_27 = arith.cmpi ne, %rem3A_25, %ne3A_26 : i32
    %lt3A_28 = arith.constant 0 : i32
    %lt3A_29 = arith.cmpi slt, %rem3A_25, %lt3A_28 : i32
    %lt3A_30 = arith.constant 0 : i32
    %lt3A_31 = arith.cmpi slt, %select_n3A_24, %lt3A_30 : i32
    %ne3A_32 = arith.xori %lt3A_29, %lt3A_31 : i1
    %and3A_33 = arith.andi %ne3A_32, %ne3A_27 : i1
    %add3A = arith.addi %rem3A_25, %select_n3A_24 : i32
    %select_n3A_34 = arith.select %and3A_33, %add3A, %rem3A_25 : i32
    %add3A_35 = arith.addi %mul3A_20, %select_n3A_34 : i32
    %c0_i32 = arith.constant 0 : i32
    %c0_i32_36 = arith.constant 0 : i32
    return %add3A_35, %c0_i32 : i32, i32
  }
  func.func @transform_1(%arg0: i32) -> (i32, i32) {
    %jit3A = arith.constant 2 : i32
    %div3A = arith.divsi %arg0, %jit3A : i32
    %sign3A = arith.constant 0 : i32
    %sign3A_0 = arith.cmpi sgt, %arg0, %sign3A : i32
    %sign3A_1 = arith.extui %sign3A_0 : i1 to i32
    %sign3A_2 = arith.constant 0 : i32
    %sign3A_3 = arith.cmpi slt, %arg0, %sign3A_2 : i32
    %sign3A_4 = arith.extui %sign3A_3 : i1 to i32
    %sign3A_5 = arith.subi %sign3A_1, %sign3A_4 : i32
    %sign3A_6 = arith.constant 0 : i32
    %sign3A_7 = arith.cmpi sgt, %jit3A, %sign3A_6 : i32
    %sign3A_8 = arith.extui %sign3A_7 : i1 to i32
    %sign3A_9 = arith.constant 0 : i32
    %sign3A_10 = arith.cmpi slt, %jit3A, %sign3A_9 : i32
    %sign3A_11 = arith.extui %sign3A_10 : i1 to i32
    %sign3A_12 = arith.subi %sign3A_8, %sign3A_11 : i32
    %ne3A = arith.cmpi ne, %sign3A_5, %sign3A_12 : i32
    %rem3A = arith.remsi %arg0, %jit3A : i32
    %ne3A_13 = arith.constant 0 : i32
    %ne3A_14 = arith.cmpi ne, %rem3A, %ne3A_13 : i32
    %and3A = arith.andi %ne3A, %ne3A_14 : i1
    %sub3A = arith.constant 1 : i32
    %sub3A_15 = arith.subi %div3A, %sub3A : i32
    %select_n3A = arith.select %and3A, %sub3A_15, %div3A : i32
    %lt3A = arith.constant 3 : i32
    %lt3A_16 = arith.cmpi slt, %select_n3A, %lt3A : i32
    %sub3A_17 = arith.constant 3 : i32
    %sub3A_18 = arith.subi %select_n3A, %sub3A_17 : i32
    %select_n3A_19 = arith.select %lt3A_16, %select_n3A, %sub3A_18 : i32
    %mul3A = arith.constant 2 : i32
    %mul3A_20 = arith.muli %select_n3A_19, %mul3A : i32
    %jit3A_21 = arith.constant 2 : i32
    %eq3A = arith.constant 0 : i32
    %eq3A_22 = arith.cmpi eq, %jit3A_21, %eq3A : i32
    %jit3A_23 = arith.constant 1 : i32
    %select_n3A_24 = arith.select %eq3A_22, %jit3A_23, %jit3A_21 : i32
    %rem3A_25 = arith.remsi %arg0, %select_n3A_24 : i32
    %ne3A_26 = arith.constant 0 : i32
    %ne3A_27 = arith.cmpi ne, %rem3A_25, %ne3A_26 : i32
    %lt3A_28 = arith.constant 0 : i32
    %lt3A_29 = arith.cmpi slt, %rem3A_25, %lt3A_28 : i32
    %lt3A_30 = arith.constant 0 : i32
    %lt3A_31 = arith.cmpi slt, %select_n3A_24, %lt3A_30 : i32
    %ne3A_32 = arith.xori %lt3A_29, %lt3A_31 : i1
    %and3A_33 = arith.andi %ne3A_32, %ne3A_27 : i1
    %add3A = arith.addi %rem3A_25, %select_n3A_24 : i32
    %select_n3A_34 = arith.select %and3A_33, %add3A, %rem3A_25 : i32
    %add3A_35 = arith.addi %mul3A_20, %select_n3A_34 : i32
    %c0_i32 = arith.constant 0 : i32
    %c0_i32_36 = arith.constant 0 : i32
    return %add3A_35, %c0_i32 : i32, i32
  }
  func.func @transform_2(%arg0: i32) -> (i32, i32) {
    %jit3A = arith.constant 2 : i32
    %div3A = arith.divsi %arg0, %jit3A : i32
    %sign3A = arith.constant 0 : i32
    %sign3A_0 = arith.cmpi sgt, %arg0, %sign3A : i32
    %sign3A_1 = arith.extui %sign3A_0 : i1 to i32
    %sign3A_2 = arith.constant 0 : i32
    %sign3A_3 = arith.cmpi slt, %arg0, %sign3A_2 : i32
    %sign3A_4 = arith.extui %sign3A_3 : i1 to i32
    %sign3A_5 = arith.subi %sign3A_1, %sign3A_4 : i32
    %sign3A_6 = arith.constant 0 : i32
    %sign3A_7 = arith.cmpi sgt, %jit3A, %sign3A_6 : i32
    %sign3A_8 = arith.extui %sign3A_7 : i1 to i32
    %sign3A_9 = arith.constant 0 : i32
    %sign3A_10 = arith.cmpi slt, %jit3A, %sign3A_9 : i32
    %sign3A_11 = arith.extui %sign3A_10 : i1 to i32
    %sign3A_12 = arith.subi %sign3A_8, %sign3A_11 : i32
    %ne3A = arith.cmpi ne, %sign3A_5, %sign3A_12 : i32
    %rem3A = arith.remsi %arg0, %jit3A : i32
    %ne3A_13 = arith.constant 0 : i32
    %ne3A_14 = arith.cmpi ne, %rem3A, %ne3A_13 : i32
    %and3A = arith.andi %ne3A, %ne3A_14 : i1
    %sub3A = arith.constant 1 : i32
    %sub3A_15 = arith.subi %div3A, %sub3A : i32
    %select_n3A = arith.select %and3A, %sub3A_15, %div3A : i32
    %lt3A = arith.constant 2 : i32
    %lt3A_16 = arith.cmpi slt, %select_n3A, %lt3A : i32
    %sub3A_17 = arith.constant 2 : i32
    %sub3A_18 = arith.subi %select_n3A, %sub3A_17 : i32
    %select_n3A_19 = arith.select %lt3A_16, %select_n3A, %sub3A_18 : i32
    %mul3A = arith.constant 2 : i32
    %mul3A_20 = arith.muli %select_n3A_19, %mul3A : i32
    %jit3A_21 = arith.constant 2 : i32
    %eq3A = arith.constant 0 : i32
    %eq3A_22 = arith.cmpi eq, %jit3A_21, %eq3A : i32
    %jit3A_23 = arith.constant 1 : i32
    %select_n3A_24 = arith.select %eq3A_22, %jit3A_23, %jit3A_21 : i32
    %rem3A_25 = arith.remsi %arg0, %select_n3A_24 : i32
    %ne3A_26 = arith.constant 0 : i32
    %ne3A_27 = arith.cmpi ne, %rem3A_25, %ne3A_26 : i32
    %lt3A_28 = arith.constant 0 : i32
    %lt3A_29 = arith.cmpi slt, %rem3A_25, %lt3A_28 : i32
    %lt3A_30 = arith.constant 0 : i32
    %lt3A_31 = arith.cmpi slt, %select_n3A_24, %lt3A_30 : i32
    %ne3A_32 = arith.xori %lt3A_29, %lt3A_31 : i1
    %and3A_33 = arith.andi %ne3A_32, %ne3A_27 : i1
    %add3A = arith.addi %rem3A_25, %select_n3A_24 : i32
    %select_n3A_34 = arith.select %and3A_33, %add3A, %rem3A_25 : i32
    %add3A_35 = arith.addi %mul3A_20, %select_n3A_34 : i32
    %c0_i32 = arith.constant 0 : i32
    %c0_i32_36 = arith.constant 0 : i32
    return %add3A_35, %c0_i32 : i32, i32
  }
  func.func @transform_3(%arg0: i32) -> (i32, i32) {
    %jit3A = arith.constant 2 : i32
    %div3A = arith.divsi %arg0, %jit3A : i32
    %sign3A = arith.constant 0 : i32
    %sign3A_0 = arith.cmpi sgt, %arg0, %sign3A : i32
    %sign3A_1 = arith.extui %sign3A_0 : i1 to i32
    %sign3A_2 = arith.constant 0 : i32
    %sign3A_3 = arith.cmpi slt, %arg0, %sign3A_2 : i32
    %sign3A_4 = arith.extui %sign3A_3 : i1 to i32
    %sign3A_5 = arith.subi %sign3A_1, %sign3A_4 : i32
    %sign3A_6 = arith.constant 0 : i32
    %sign3A_7 = arith.cmpi sgt, %jit3A, %sign3A_6 : i32
    %sign3A_8 = arith.extui %sign3A_7 : i1 to i32
    %sign3A_9 = arith.constant 0 : i32
    %sign3A_10 = arith.cmpi slt, %jit3A, %sign3A_9 : i32
    %sign3A_11 = arith.extui %sign3A_10 : i1 to i32
    %sign3A_12 = arith.subi %sign3A_8, %sign3A_11 : i32
    %ne3A = arith.cmpi ne, %sign3A_5, %sign3A_12 : i32
    %rem3A = arith.remsi %arg0, %jit3A : i32
    %ne3A_13 = arith.constant 0 : i32
    %ne3A_14 = arith.cmpi ne, %rem3A, %ne3A_13 : i32
    %and3A = arith.andi %ne3A, %ne3A_14 : i1
    %sub3A = arith.constant 1 : i32
    %sub3A_15 = arith.subi %div3A, %sub3A : i32
    %select_n3A = arith.select %and3A, %sub3A_15, %div3A : i32
    %lt3A = arith.constant 1 : i32
    %lt3A_16 = arith.cmpi slt, %select_n3A, %lt3A : i32
    %sub3A_17 = arith.constant 1 : i32
    %sub3A_18 = arith.subi %select_n3A, %sub3A_17 : i32
    %select_n3A_19 = arith.select %lt3A_16, %select_n3A, %sub3A_18 : i32
    %mul3A = arith.constant 2 : i32
    %mul3A_20 = arith.muli %select_n3A_19, %mul3A : i32
    %jit3A_21 = arith.constant 2 : i32
    %eq3A = arith.constant 0 : i32
    %eq3A_22 = arith.cmpi eq, %jit3A_21, %eq3A : i32
    %jit3A_23 = arith.constant 1 : i32
    %select_n3A_24 = arith.select %eq3A_22, %jit3A_23, %jit3A_21 : i32
    %rem3A_25 = arith.remsi %arg0, %select_n3A_24 : i32
    %ne3A_26 = arith.constant 0 : i32
    %ne3A_27 = arith.cmpi ne, %rem3A_25, %ne3A_26 : i32
    %lt3A_28 = arith.constant 0 : i32
    %lt3A_29 = arith.cmpi slt, %rem3A_25, %lt3A_28 : i32
    %lt3A_30 = arith.constant 0 : i32
    %lt3A_31 = arith.cmpi slt, %select_n3A_24, %lt3A_30 : i32
    %ne3A_32 = arith.xori %lt3A_29, %lt3A_31 : i1
    %and3A_33 = arith.andi %ne3A_32, %ne3A_27 : i1
    %add3A = arith.addi %rem3A_25, %select_n3A_24 : i32
    %select_n3A_34 = arith.select %and3A_33, %add3A, %rem3A_25 : i32
    %add3A_35 = arith.addi %mul3A_20, %select_n3A_34 : i32
    %c0_i32 = arith.constant 0 : i32
    %c0_i32_36 = arith.constant 0 : i32
    return %add3A_35, %c0_i32 : i32, i32
  }
  func.func @transform_4(%arg0: i32) -> (i32, i32) {
    %jit3A = arith.constant 2 : i32
    %div3A = arith.divsi %arg0, %jit3A : i32
    %sign3A = arith.constant 0 : i32
    %sign3A_0 = arith.cmpi sgt, %arg0, %sign3A : i32
    %sign3A_1 = arith.extui %sign3A_0 : i1 to i32
    %sign3A_2 = arith.constant 0 : i32
    %sign3A_3 = arith.cmpi slt, %arg0, %sign3A_2 : i32
    %sign3A_4 = arith.extui %sign3A_3 : i1 to i32
    %sign3A_5 = arith.subi %sign3A_1, %sign3A_4 : i32
    %sign3A_6 = arith.constant 0 : i32
    %sign3A_7 = arith.cmpi sgt, %jit3A, %sign3A_6 : i32
    %sign3A_8 = arith.extui %sign3A_7 : i1 to i32
    %sign3A_9 = arith.constant 0 : i32
    %sign3A_10 = arith.cmpi slt, %jit3A, %sign3A_9 : i32
    %sign3A_11 = arith.extui %sign3A_10 : i1 to i32
    %sign3A_12 = arith.subi %sign3A_8, %sign3A_11 : i32
    %ne3A = arith.cmpi ne, %sign3A_5, %sign3A_12 : i32
    %rem3A = arith.remsi %arg0, %jit3A : i32
    %ne3A_13 = arith.constant 0 : i32
    %ne3A_14 = arith.cmpi ne, %rem3A, %ne3A_13 : i32
    %and3A = arith.andi %ne3A, %ne3A_14 : i1
    %sub3A = arith.constant 1 : i32
    %sub3A_15 = arith.subi %div3A, %sub3A : i32
    %select_n3A = arith.select %and3A, %sub3A_15, %div3A : i32
    %lt3A = arith.constant 0 : i32
    %lt3A_16 = arith.cmpi slt, %select_n3A, %lt3A : i32
    %sub3A_17 = arith.constant 0 : i32
    %sub3A_18 = arith.subi %select_n3A, %sub3A_17 : i32
    %select_n3A_19 = arith.select %lt3A_16, %select_n3A, %sub3A_18 : i32
    %mul3A = arith.constant 2 : i32
    %mul3A_20 = arith.muli %select_n3A_19, %mul3A : i32
    %jit3A_21 = arith.constant 2 : i32
    %eq3A = arith.constant 0 : i32
    %eq3A_22 = arith.cmpi eq, %jit3A_21, %eq3A : i32
    %jit3A_23 = arith.constant 1 : i32
    %select_n3A_24 = arith.select %eq3A_22, %jit3A_23, %jit3A_21 : i32
    %rem3A_25 = arith.remsi %arg0, %select_n3A_24 : i32
    %ne3A_26 = arith.constant 0 : i32
    %ne3A_27 = arith.cmpi ne, %rem3A_25, %ne3A_26 : i32
    %lt3A_28 = arith.constant 0 : i32
    %lt3A_29 = arith.cmpi slt, %rem3A_25, %lt3A_28 : i32
    %lt3A_30 = arith.constant 0 : i32
    %lt3A_31 = arith.cmpi slt, %select_n3A_24, %lt3A_30 : i32
    %ne3A_32 = arith.xori %lt3A_29, %lt3A_31 : i1
    %and3A_33 = arith.andi %ne3A_32, %ne3A_27 : i1
    %add3A = arith.addi %rem3A_25, %select_n3A_24 : i32
    %select_n3A_34 = arith.select %and3A_33, %add3A, %rem3A_25 : i32
    %add3A_35 = arith.addi %mul3A_20, %select_n3A_34 : i32
    %c0_i32 = arith.constant 0 : i32
    %c0_i32_36 = arith.constant 0 : i32
    return %add3A_35, %c0_i32 : i32, i32
  }
  func.func @transform_5(%arg0: i32) -> (i32, i32) {
    %c0_i32 = arith.constant 0 : i32
    %c0_i32_0 = arith.constant 0 : i32
    %c0_i32_1 = arith.constant 0 : i32
    return %c0_i32, %c0_i32_0 : i32, i32
  }
  func.func @transform_6(%arg0: i32) -> (i32, i32) {
    %c0_i32 = arith.constant 0 : i32
    %c0_i32_0 = arith.constant 0 : i32
    %c0_i32_1 = arith.constant 0 : i32
    return %c0_i32, %c0_i32_0 : i32, i32
  }
  func.func @transform_7(%arg0: i32) -> (i32, i32) {
    %c0_i32 = arith.constant 0 : i32
    %c0_i32_0 = arith.constant 0 : i32
    %c0_i32_1 = arith.constant 0 : i32
    return %c0_i32, %c0_i32_0 : i32, i32
  }
  func.func @transform_8(%arg0: i32) -> (i32, i32) {
    %c0_i32 = arith.constant 0 : i32
    %c0_i32_0 = arith.constant 0 : i32
    %c0_i32_1 = arith.constant 0 : i32
    return %c0_i32, %c0_i32_0 : i32, i32
  }
  func.func @transform_9(%arg0: i32) -> (i32, i32) {
    %c0_i32 = arith.constant 0 : i32
    %c0_i32_0 = arith.constant 0 : i32
    %c0_i32_1 = arith.constant 0 : i32
    return %c0_i32, %c0_i32_0 : i32, i32
  }
  func.func @transform_10(%arg0: i32) -> (i32, i32) {
    %c0_i32 = arith.constant 0 : i32
    %c0_i32_0 = arith.constant 0 : i32
    return %arg0, %c0_i32 : i32, i32
  }
  func.func @transform_11(%arg0: i32) -> (i32, i32) {
    %c0_i32 = arith.constant 0 : i32
    %c0_i32_0 = arith.constant 0 : i32
    return %arg0, %c0_i32 : i32, i32
  }
}

</mosaic_0001>

<sc_bundles>
// kernel: kernel.6.cloned.1.call-start
scs
__scs_entry_jumppad:
0x0: {  	(pc) =	sbr.rel $0x88, $3  }
0x1: {  	(tag) =	ssettag $0x0;
	lr =	simm.s32 $0x1  }
0x2: {  	[smem:$0x3F96] =	sst lr;
	_ =	strace $0xD0000000  }
0x3: {  	_ = 	snop  }
0x4: {  	_ = 	snop  }
0x5: {  	_ = 	snop  }
0x6: {  	_ = 	snop  }
0x7: {  	_ = 	snop  }
__scs_overlays_trampoline_lowered:
0x8: {  	[smem:$0x3FA5] =	sst s0  }
0x9: {  	[smem:$0x3FA6] =	sst s1  }
0xa: {  	[smem:$0x3FA7] =	sst s2  }
0xb: {  	[smem:$0x3FA8] =	sst s3  }
0xc: {  	[smem:$0x3FA9] =	sst s4  }
0xd: {  	[smem:$0x3FAA] =	sst s5  }
0xe: {  	[smem:$0x3FAB] =	sst s6  }
0xf: {  	[smem:$0x3FAC] =	sst s7  }
0x10: {  	[smem:$0x3FAD] =	sst s8  }
0x11: {  	[smem:$0x3FAE] =	sst s9;
	s0 =	simm.s32 @!p0 $0x0  }
0x12: {  	s1 =	sld [smem:$0x3F94];
	s0 =	simm.s32 @p0 $0x1  }
0x13: {  	[smem:$0x3FAF] =	sst s0;
	s0 =	simm.s32 @!p1 $0x0  }
0x14: {  	s2 =	sld [smem:$0x3F93];
	s0 =	simm.s32 @p1 $0x1  }
0x15: {  	[smem:$0x3FB0] =	sst s0;
	s0 =	simm.s32 @!p2 $0x0  }
0x16: {  	s3 =	sld [smem:$0x3FDB];
	s0 =	simm.s32 @p2 $0x1  }
0x17: {  	s4 =	simm.s32 $0x1BF5;
	[smem:$0x3FB2] =	sst s0  }
0x18: {  	s0 =	sld [smem:$0x3F95];
	_ =	swait.ge [sflag:s4], $0x0  }
0x19: {  	s7 =	sld [smem:$0x3F96]  }
0x1a: {  	s8 =	sadd.s32 $0xFFFFE003, lr  }
0x1b: {  	s9 =	sadd.s32 $0xFFFFFEF7, lr;
	s5 =	simm.s32 $0xFFFFFFFF;
	p2 =	slt.u32 s8, $0xFFFFF086  }
0x1c: {  	p1 =	slt.u32 s9, $0xF7A;
	s5 =	simm.s32 @!p2 $0x0  }
0x1d: {  	s5 =	simm.s32 @p1 $0x1;
	p0 =	seq.s32 s7, s2  }
0x1e: {  	s7 =	smul.u32 @!p0 $0xF7A, s2;
	p2 =	seq.s32 @!p0 s5, $0x0  }
0x1f: {  	s9 =	smul.u32 $0xF7A, s1;
	s8 =	simm.s32 @!p0 $0x1BF5;
	p2 =	por !p2, p0  }
0x20: {  	[sflag:s8] =	ssyncset.s32 @!p0 $0xFFFFF086;
	s6 =	sadd.s32 @!p0 s3, s7;
	s7 =	simm.s32 @!p0 $0x108  }
0x21: {  	s3 =	sadd.s32 s3, s9;
	s6 =	sadd.s32 @!p0 $0x88, s6;
	s7 =	simm.s32 @p2 $0x1082  }
0x22: {  	[simem:s7], [sflag:s8] =	dma.local @!p0 [hbm:s6], $0xF7A  }
0x23: {  	s9 =	sor.u32 $0xD0000000, s2;
	s6 =	simm.s32 $0x108;
	_ =	swait.ge @!p0 [sflag:s8], $0x0  }
0x24: {  	s3 =	sadd.s32 $0x88, s3;
	s6 =	simm.s32 @!p1 $0x1082;
	[sflag:s4] =	ssyncset.s32 $0xFFFFF086  }
0x25: {  	[simem:s6], [sflag:s4] =	dma.local [hbm:s3], $0xF7A  }
0x26: {  	[smem:$0x3F96] =	sst s1;
	(tag) =	ssettag s2;
	_ =	strace s9  }
0x27: {  	s1 =	sld [smem:$0x3FA6]  }
0x28: {  	s2 =	sld [smem:$0x3FA7]  }
0x29: {  	s4 =	sld [smem:$0x3FA9]  }
0x2a: {  	p0 =	seq.s32 s5, $0x0;
	s5 =	sld [smem:$0x3FAA]  }
0x2b: {  	s6 =	sld [smem:$0x3FAB]  }
0x2c: {  	s7 =	sld [smem:$0x3FAC]  }
0x2d: {  	s3 =	simm.s32 $0x108;
	s8 =	sld [smem:$0x3FAD]  }
0x2e: {  	s3 =	simm.s32 @!p0 $0x1082;
	s9 =	sld [smem:$0x3FAE]  }
0x2f: {  	lr =	sadd.s32 s0, s3;
	s0 =	sld [smem:$0x3FA5]  }
0x30: {  	s3 =	sld [smem:$0x3FA8]  }
0x31: {  	[smem:$0x3FB1] =	sst s10  }
0x32: {  	s10 =	sld [smem:$0x3FAF];
	_ =	sdelay $0x3  }
0x33: {  	p0 =	seq.s32 s10, $0x1;
	s10 =	sld [smem:$0x3FB1];
	_ =	sdelay $0x3  }
0x34: {  	[smem:$0x3FB1] =	sst s10  }
0x35: {  	s10 =	sld [smem:$0x3FB0];
	_ =	sdelay $0x3  }
0x36: {  	p1 =	seq.s32 s10, $0x1;
	s10 =	sld [smem:$0x3FB1];
	_ =	sdelay $0x3  }
0x37: {  	[smem:$0x3FB1] =	sst s10  }
0x38: {  	s10 =	sld [smem:$0x3FB2]  }
0x39: {  	_ = 	snop;
	(pc) =	sbr.ind lr, $3  }
0x3a: {  	_ = 	snop  }
0x3b: {  	_ = 	snop  }
0x3c: {  	p2 =	seq.s32 s10, $0x1;
	s10 =	sld [smem:$0x3FB1]  }
0x3d: {  	_ =	shalt  }
0x3e: {  	_ =	shalt  }
0x3f: {  	_ =	shalt  }
0x40: {  	_ =	shalt  }
0x41: {  	_ =	shalt  }
0x42: {  	_ =	shalt  }
0x43: {  	_ =	shalt  }
0x44: {  	_ =	shalt  }
0x45: {  	_ =	shalt  }
0x46: {  	_ =	shalt  }
0x47: {  	_ =	shalt  }
0x48: {  	_ =	shalt  }
0x49: {  	_ =	shalt  }
0x4a: {  	_ =	shalt  }
0x4b: {  	_ =	shalt  }
0x4c: {  	_ =	shalt  }
0x4d: {  	_ =	shalt  }
0x4e: {  	_ =	shalt  }
0x4f: {  	_ =	shalt  }
0x50: {  	_ =	shalt  }
0x51: {  	_ =	shalt  }
0x52: {  	_ =	shalt  }
0x53: {  	_ =	shalt  }
0x54: {  	_ =	shalt  }
0x55: {  	_ =	shalt  }
0x56: {  	_ =	shalt  }
0x57: {  	_ =	shalt  }
0x58: {  	_ =	shalt  }
0x59: {  	_ =	shalt  }
0x5a: {  	_ =	shalt  }
0x5b: {  	_ =	shalt  }
0x5c: {  	_ =	shalt  }
0x5d: {  	_ =	shalt  }
0x5e: {  	_ =	shalt  }
0x5f: {  	_ =	shalt  }
0x60: {  	_ =	shalt  }
0x61: {  	_ =	shalt  }
0x62: {  	_ =	shalt  }
0x63: {  	_ =	shalt  }
0x64: {  	_ =	shalt  }
0x65: {  	_ =	shalt  }
0x66: {  	_ =	shalt  }
0x67: {  	_ =	shalt  }
0x68: {  	_ =	shalt  }
0x69: {  	_ =	shalt  }
0x6a: {  	_ =	shalt  }
0x6b: {  	_ =	shalt  }
0x6c: {  	_ =	shalt  }
0x6d: {  	_ =	shalt  }
0x6e: {  	_ =	shalt  }
0x6f: {  	_ =	shalt  }
0x70: {  	_ =	shalt  }
0x71: {  	_ =	shalt  }
0x72: {  	_ =	shalt  }
0x73: {  	_ =	shalt  }
0x74: {  	_ =	shalt  }
0x75: {  	_ =	shalt  }
0x76: {  	_ =	shalt  }
0x77: {  	_ =	shalt  }
0x78: {  	_ =	shalt  }
0x79: {  	_ =	shalt  }
0x7a: {  	_ =	shalt  }
0x7b: {  	_ =	shalt  }
0x7c: {  	_ =	shalt  }
0x7d: {  	_ =	shalt  }
0x7e: {  	_ =	shalt  }
0x7f: {  	_ =	shalt  }
0x80: {  	_ =	shalt  }
0x81: {  	_ =	shalt  }
0x82: {  	_ =	shalt  }
0x83: {  	_ =	shalt  }
0x84: {  	_ =	shalt  }
0x85: {  	_ =	shalt  }
0x86: {  	_ =	shalt  }
0x87: {  	_ =	shalt  }
.Lfunc_end0:
.L_simem_size_0:
called_computation_lowered:
.L_overlay_start_0:
0x88: {  	s2 =	sld [smem:$0x3FD9]  }
0x89: {  	s3 =	sld [smem:$0x3FFE];
	_ =	sdelay $0x1  }
0x8a: {  	s1 =	srdreg.scid  }
0x8b: {  	s0 =	sand.u32 $0x1, s1  }
0x8c: {  	s17 =	sshll.u32 s0, $0xA;
	s2 =	sadd.s32 s3, s2  }
0x8d: {  	s2 =	sadd.s32 s2, s17  }
0x8e: {  	[smem:$0x3FBD] =	sst s2  }
0x8f: {  	_ = 	snop  }
0x90: {  	(tm) =	ssettm $0x1  }
0x91: {  	s18 =	sld [smem:$0x3FFB];
	_ =	sdelay $0x3  }
0x92: {  	_ =	strace s18  }
0x93: {  	s2 =	sld [smem:$0x3FFC];
	_ =	sdelay $0x3  }
0x94: {  	_ =	strace s2  }
0x95: {  	s2 =	sld [smem:$0x3FFD];
	_ =	sdelay $0x3  }
0x96: {  	_ =	strace s2  }
0x97: {  	_ =	strace $0x8FFFFFFF  }
0x98: {  	s19 =	sld [smem:$0x3FDB];
	_ =	sdelay $0x1  }
0x99: {  	s20 =	simm.s32 $_scs_section_size  }
0x9a: {  	s4 =	simm.s32 $_size__tile_overlayer_lowered;
	s5 =	simm.s32 $_tile_overlayer_lowered  }
0x9b: {  	s6 =	simm.s32 $0x1BFF;
	s21 =	sshll.u32 s5, $0x1;
	s3 =	sadd.s32 s20, s19  }
0x9c: {  	s22 =	simm.s32 $0x0;
	s4 =	sshll.u32 s4, $0x1;
	s5 =	sadd.s32 s21, s3  }
0x9d: {  	[timem:s22], [sflag:s6] =	dma.local [hbm:s5], s4  }
0x9e: {  	_ =	swait.ge [sflag:s6], s4  }
0x9f: {  	s4 =	ssub.s32 $0x0, s4;
	[sflag:s6] =	ssyncset.done $0x0  }
0xa0: {  	[sflag:s6] =	ssyncadd.s32 s4;
	_ =	sdelay $0x1  }
0xa1: {  	s23 =	simm.s32 $0x1B8B  }
0xa2: {  	_ =	swait.ge [sflag:s23], $0x1  }
0xa3: {  	[sflag:s23] =	ssyncset.done $0x0  }
0xa4: {  	[sflag:s23] =	ssyncadd.s32 $0xFFFFFFFF  }
0xa5: {  	s4 =	sld [smem:$0x0]  }
0xa6: {  	s5 =	sand.u32 $0xFFFFFFFE, s1  }
0xa7: {  	p0 =	sne.s32 s1, s5  }
0xa8: {  	s5 =	sshll.u32 @p0 s5, $0xE  }
0xa9: {  	s5 =	sadd.s32 @p0 $0x11B8D, s5;
	s6 =	sshll.u32 @p0 s4, $0x11  }
0xaa: {  	s5 =	sor.u32 @p0 s6, s5  }
0xab: {  	[sflag:s5] =	ssyncadd.remote.s32 @p0 $0x1;
	_ =	sdelay $0x1  }
0xac: {  	s5 =	simm.s32 @p0 $0x1B8D  }
0xad: {  	_ =	swait.eq @p0 [sflag:s5], $0x1  }
0xae: {  	[sflag:s5] =	ssyncadd.s32 @p0 $0xFFFFFFFF  }
0xaf: {  	s6 =	sshll.u32 @!p0 s1, $0xE  }
0xb0: {  	s6 =	sor.u32 @!p0 $0x4000, s6;
	s5 =	simm.s32 @!p0 $0x1B8D  }
0xb1: {  	s4 =	sshll.u32 @!p0 s4, $0x11;
	s6 =	sadd.s32 @!p0 $0x11B8D, s6;
	_ =	swait.eq @!p0 [sflag:s5], $0x1  }
0xb2: {  	s4 =	sor.u32 @!p0 s4, s6;
	[sflag:s5] =	ssyncadd.s32 @!p0 $0xFFFFFFFF  }
0xb3: {  	s25 =	simm.s32 $0x1B8E;
	s24 =	sld [smem:$0x3FFE];
	[sflag:s4] =	ssyncadd.remote.s32 @!p0 $0x1  }
0xb4: {  	s26 =	simm.s32 $execute0_lowered;
	[smem:$0x3FD2] =	sst s25  }
0xb5: {  	s5 =	sshll.u32 s26, $0x1;
	_ =	strace $0x80000049;
	[dreg:$0x1] =	wrdreg $0xFFFFFFFF  }
0xb6: {  	s28 =	simm.s32 $_size_execute0_lowered;
	s3 =	sadd.s32 s3, s5;
	[dreg:$0x0] =	wrdreg $0x0  }
0xb7: {  	s5 =	sshll.u32 s28, $0x1;
	[dreg:$0x2] =	wrdreg s3  }
0xb8: {  	[dreg:$0x3] =	wrdreg s5  }
0xb9: {  	[dreg:$0x4] =	wrdreg $0xC0  }
0xba: {  	_ =	task [dreg:s22], $0x5FFFF  }
0xbb: {  	[dreg:$0x1] =	wrdreg $0xFFFFFFFF  }
0xbc: {  	[dreg:$0x0] =	wrdreg $0x60  }
0xbd: {  	[dreg:$0x2] =	wrdreg s24  }
0xbe: {  	[dreg:$0x3] =	wrdreg $0x9  }
0xbf: {  	_ =	task.clear_ibuf [dreg:s22], $0x4FFFF;
	_ =	strace $0x90000049  }
0xc0: {  	s29 =	simm.s32 $0x9;
	_ =	strace $0x8000004B  }
0xc1: {  	_ =	swait.ge [sflag:s29], $0x1  }
0xc2: {  	[sflag:s29] =	ssyncadd.s32 $0xFFFFFFFF  }
0xc3: {  	_ =	strace $0x9000004B  }
0xc4: {  	_ =	sfence  }
0xc5: {  	s30 =	sld [smem:$0x0];
	_ =	sdelay $0x2  }
0xc6: {  	s31 =	sshll.u32 s1, $0xD;
	s1 =	sshrl.u32 s1, $0x2  }
0xc7: {  	s4 =	sand.u32 $0x4000, s31;
	s1 =	sadd.s32 s1, s30  }
0xc8: {  	s0 =	sor.u32 s4, s0;
	s1 =	sshll.u32 s1, $0x11  }
0xc9: {  	s0 =	sor.u32 s1, s0  }
0xca: {  	s0 =	sadd.s32 $0x8F2B, s0  }
0xcb: {  	[sflag:s0] =	ssyncadd.remote.s32 $0x1  }
0xcc: {  	_ =	sfence.sel $0xFFFF  }
0xcd: {  	[dreg:$0x0] =	wrdreg $0xFFFFFFFF;
	(pc) =	sbr.abs _section_cstart, $3  }
0xce: {  	[dreg:$0x1] =	wrdreg $0xFFFFFFFF  }
0xcf: {  	_ =	task.clear_ibuf [dreg:s22], $0x2FFFF;
	_ =	strace $0x9FFFFFFF  }
0xd0: {  	(tm) =	ssettm $0x7FFFFFFF  }
0xd1: {  	_ =	shalt  }
tec
execute0_lowered:
.L_overlay_start_1:
0x0: {  	(tag) =	ssettag $0x1  }
0x1: {  	s1 =	srdreg.scid;
	s0 =	stileid.u32  }
0x2: {  	s16 =	sand.u32 $0x1, s1;
	s29 =	sshll.u32 s0, $0x1  }
0x3: {  	s17 =	sor.u32 s16, s29  }
0x4: {  	s18 =	rddreg [dreg:$0x0];
	s3 =	smul.u32 $0x50, s17  }
0x5: {  	s2 =	simm.s32 $0x0;
	s1 =	rddreg [dreg:$0x1]  }
0x6: {  	[smem:$0x7FF] =	sst s2;
	s3 =	sadd.s32 s3, s18  }
0x7: {  	_ =	strace $0x8000004A;
	s4 =	sadd.s32 $0x1A00, s3;
	s3 =	simm.s32 $0x2  }
0x8: {  	[tilespmem:s2], [sflag:$0x2] =	stream.linear.gather [hbm4b:s4+s2], $0x280, $0x38;
	[tilespmem:$0x5280] =	vst v63  }
0x9: {  	_ =	swait.ge [sflag:s3], $0x280  }
0xa: {  	s6 =	simm.s32 $0x80;
	[sflag:s3] =	ssyncset.done $0x0  }
0xb: {  	s7 =	simm.s32 $0x280;
	s5 =	sadd.s32 $0x189E00, s18;
	[sflag:s3] =	ssyncadd.s32 $0xFFFFFD80  }
0xc: {  	[tilespmem:s7], [sflag:$0x1] =	stream.indirect.gather [hbm4b:s5+s6], $0x20, s2, s6, $0xb8;
	[tilespmem:$0x5280] =	vst v63  }
0xd: {  	s8 =	simm.s32 $0x1280  }
0xe: {  	[tilespmem:s8], [sflag:$0x1] =	stream.indirect.gather [hbm4b:s5+s6], $0x20, s6, s6, $0xb8;
	[tilespmem:$0x5280] =	vst v63  }
0xf: {  	s9 =	simm.s32 $0x100;
	s10 =	simm.s32 $0x2280  }
0x10: {  	[tilespmem:s10], [sflag:$0x1] =	stream.indirect.gather [hbm4b:s5+s6], $0x20, s9, s6, $0xb8;
	[tilespmem:$0x5280] =	vst v63  }
0x11: {  	s11 =	simm.s32 $0x180;
	s12 =	simm.s32 $0x3280  }
0x12: {  	[tilespmem:s12], [sflag:$0x1] =	stream.indirect.gather [hbm4b:s5+s6], $0x20, s11, s6, $0xb8;
	[tilespmem:$0x5280] =	vst v63  }
0x13: {  	s13 =	simm.s32 $0x200;
	s14 =	simm.s32 $0x4280;
	s15 =	simm.s32 $0x1  }
0x14: {  	[tilespmem:s14], [sflag:$0x1] =	stream.indirect.gather [hbm4b:s5+s6], $0x20, s13, s6, $0xb8;
	[tilespmem:$0x5280] =	vst v63  }
0x15: {  	_ =	swait.ge [sflag:s15], $0x1000  }
0x16: {  	[sflag:s15] =	ssyncset.done $0x0  }
0x17: {  	[sflag:s15] =	ssyncadd.s32 $0xFFFFF000  }
0x18: {  	_ =	swait.ge [sflag:s15], $0x1000  }
0x19: {  	[sflag:s15] =	ssyncset.done $0x0  }
0x1a: {  	[sflag:s15] =	ssyncadd.s32 $0xFFFFF000  }
0x1b: {  	_ =	swait.ge [sflag:s15], $0x1000  }
0x1c: {  	[sflag:s15] =	ssyncset.done $0x0  }
0x1d: {  	s16 =	ssub.s32 $0x2, s16;
	[sflag:s15] =	ssyncadd.s32 $0xFFFFF000  }
0x1e: {  	s19 =	sshrl.u32 s16, $0x1;
	_ =	swait.ge [sflag:s15], $0x1000  }
0x1f: {  	s30 =	ssub.s32 s16, s19;
	[sflag:s15] =	ssyncset.done $0x0  }
0x20: {  	s17 =	smul.u32 $0xA00, s17;
	s31 =	smax.u32 s30, $0x1;
	[sflag:s15] =	ssyncadd.s32 $0xFFFFF000  }
0x21: {  	p0 =	sne.s32 s31, $0x1;
	_ =	swait.ge [sflag:s15], $0x1000  }
.Ltmp0:
0x22: {  	s17 =	sadd.s32 s17, s18;
	[sflag:s15] =	ssyncset.done $0x0;
	(pc) =	sbr.rel @!p0 .LBB2_2-.Ltmp0, $4  }
0x23: {  	s16 =	sadd.s32 $0x1EBA00, s17;
	[sflag:s15] =	ssyncadd.s32 $0xFFFFF000  }
0x24: {  	[hbm4b:s16+s2] =	stream.linear.scatter [tilespmem:s7], [sflag:$0x2], $0x5000, $0x38;
	[tilespmem:$0x5280] =	vst v63  }
0x25: {  	_ =	swait.ge [sflag:s3], $0x5000  }
0x26: {  	s17 =	sadd.s32 $0xFFFFFFFF, s31;
	[sflag:s3] =	ssyncset.done $0x0  }
.LBB2_1:
0x27: {  	p0 =	sne.s32 s17, $0x1;
	s17 =	sadd.s32 $0xFFFFFFFF, s17;
	[sflag:s3] =	ssyncadd.s32 $0xFFFFB000  }
0x28: {  	[tilespmem:s2], [sflag:$0x2] =	stream.linear.gather [hbm4b:s4+s2], $0x280, $0x38;
	[tilespmem:$0x5280] =	vst v63  }
0x29: {  	_ =	swait.ge [sflag:s3], $0x280  }
0x2a: {  	[sflag:s3] =	ssyncset.done $0x0  }
0x2b: {  	[sflag:s3] =	ssyncadd.s32 $0xFFFFFD80  }
0x2c: {  	[tilespmem:s7], [sflag:$0x1] =	stream.indirect.gather [hbm4b:s5+s6], $0x20, s2, s6, $0xb8;
	[tilespmem:$0x5280] =	vst v63  }
0x2d: {  	_ = 	snop  }
0x2e: {  	[tilespmem:s8], [sflag:$0x1] =	stream.indirect.gather [hbm4b:s5+s6], $0x20, s6, s6, $0xb8;
	[tilespmem:$0x5280] =	vst v63  }
0x2f: {  	_ = 	snop  }
0x30: {  	[tilespmem:s10], [sflag:$0x1] =	stream.indirect.gather [hbm4b:s5+s6], $0x20, s9, s6, $0xb8;
	[tilespmem:$0x5280] =	vst v63  }
0x31: {  	_ = 	snop  }
0x32: {  	[tilespmem:s12], [sflag:$0x1] =	stream.indirect.gather [hbm4b:s5+s6], $0x20, s11, s6, $0xb8;
	[tilespmem:$0x5280] =	vst v63  }
0x33: {  	_ = 	snop  }
0x34: {  	[tilespmem:s14], [sflag:$0x1] =	stream.indirect.gather [hbm4b:s5+s6], $0x20, s13, s6, $0xb8;
	[tilespmem:$0x5280] =	vst v63  }
0x35: {  	_ =	swait.ge [sflag:s15], $0x1000  }
0x36: {  	[sflag:s15] =	ssyncset.done $0x0  }
0x37: {  	[sflag:s15] =	ssyncadd.s32 $0xFFFFF000  }
0x38: {  	_ =	swait.ge [sflag:s15], $0x1000  }
0x39: {  	[sflag:s15] =	ssyncset.done $0x0  }
0x3a: {  	[sflag:s15] =	ssyncadd.s32 $0xFFFFF000  }
0x3b: {  	_ =	swait.ge [sflag:s15], $0x1000  }
0x3c: {  	[sflag:s15] =	ssyncset.done $0x0  }
0x3d: {  	[sflag:s15] =	ssyncadd.s32 $0xFFFFF000  }
0x3e: {  	_ =	swait.ge [sflag:s15], $0x1000  }
0x3f: {  	[sflag:s15] =	ssyncset.done $0x0  }
0x40: {  	[sflag:s15] =	ssyncadd.s32 $0xFFFFF000  }
0x41: {  	_ =	swait.ge [sflag:s15], $0x1000  }
.Ltmp1:
0x42: {  	[sflag:s15] =	ssyncset.done $0x0;
	(pc) =	sbr.rel @p0 .LBB2_1-.Ltmp1, $4  }
0x43: {  	[sflag:s15] =	ssyncadd.s32 $0xFFFFF000  }
0x44: {  	[hbm4b:s16+s2] =	stream.linear.scatter [tilespmem:s7], [sflag:$0x2], $0x5000, $0x38;
	[tilespmem:$0x5280] =	vst v63  }
0x45: {  	_ =	swait.ge [sflag:s3], $0x5000  }
0x46: {  	[sflag:s3] =	ssyncset.done $0x0  }
.LBB2_2:
0x47: {  	[sflag:s3] =	ssyncadd.s32 $0xFFFFB000  }
0x48: {  	_ =	sfence.sel $0x180000  }
0x49: {  	[bflag:$0x0] =	sbarrier.arrive $0xFFFF  }
0x4a: {  	p0 =	sne.s32 s0, $0x0;
	_ =	strace $0x9000004A  }
0x4b: {  	s0 =	sadd.s32 @!p0 $0x100000, s1;
	[bflag:$0x2] =	sbarrier.arrive $0xFFFF  }
0x4c: {  	[sflag:s0] =	ssyncadd.tile.s32 @!p0 $0x1;
	_ =	shalt  }
.Lfunc_end2:
_tile_overlayer_lowered:
.L_overlay_start_2:
0x4d: {  	(tag) =	ssettag $0x2  }
0x4e: {  	s0 =	rddreg [dreg:$0x0];
	s2 =	stileid.u32  }
0x4f: {  	s1 =	rddreg [dreg:$0x1];
	p0 =	sne.s32 s2, $0x0  }
0x50: {  	s3 =	rddreg [dreg:$0x2];
	[bflag:$0x3] =	sbarrier.arrive $0xFFFF;
	s2 =	simm.s32 @!p0 $0x1C02  }
0x51: {  	[timem:s3], [sflag:s2] =	dma.local @!p0 [hbm:s0], s1  }
0x52: {  	s0 =	simm.s32 @!p0 $0x2  }
0x53: {  	_ =	swait.ge @!p0 [sflag:s0], s1  }
0x54: {  	s1 =	ssub.s32 @!p0 $0x0, s1;
	[sflag:s0] =	ssyncset.done @!p0 $0x0  }
0x55: {  	[sflag:s0] =	ssyncadd.s32 @!p0 s1  }
0x56: {  	[bflag:$0x3] =	sbarrier.arrive $0xFFFF  }
0x57: {  	_ =	shalt  }

// kernel: kernel.9.cloned.1.call-start
scs
__scs_entry_jumppad:
0x0: {  	(pc) =	sbr.rel $0x88, $3  }
0x1: {  	(tag) =	ssettag $0x0;
	lr =	simm.s32 $0x1  }
0x2: {  	[smem:$0x3F96] =	sst lr;
	_ =	strace $0xD0000000  }
0x3: {  	_ = 	snop  }
0x4: {  	_ = 	snop  }
0x5: {  	_ = 	snop  }
0x6: {  	_ = 	snop  }
0x7: {  	_ = 	snop  }
__scs_overlays_trampoline_lowered:
0x8: {  	[smem:$0x3FA5] =	sst s0  }
0x9: {  	[smem:$0x3FA6] =	sst s1  }
0xa: {  	[smem:$0x3FA7] =	sst s2  }
0xb: {  	[smem:$0x3FA8] =	sst s3  }
0xc: {  	[smem:$0x3FA9] =	sst s4  }
0xd: {  	[smem:$0x3FAA] =	sst s5  }
0xe: {  	[smem:$0x3FAB] =	sst s6  }
0xf: {  	[smem:$0x3FAC] =	sst s7  }
0x10: {  	[smem:$0x3FAD] =	sst s8  }
0x11: {  	[smem:$0x3FAE] =	sst s9;
	s0 =	simm.s32 @!p0 $0x0  }
0x12: {  	s1 =	sld [smem:$0x3F94];
	s0 =	simm.s32 @p0 $0x1  }
0x13: {  	[smem:$0x3FAF] =	sst s0;
	s0 =	simm.s32 @!p1 $0x0  }
0x14: {  	s2 =	sld [smem:$0x3F93];
	s0 =	simm.s32 @p1 $0x1  }
0x15: {  	[smem:$0x3FB0] =	sst s0;
	s0 =	simm.s32 @!p2 $0x0  }
0x16: {  	s3 =	sld [smem:$0x3FDB];
	s0 =	simm.s32 @p2 $0x1  }
0x17: {  	s4 =	simm.s32 $0x1BF5;
	[smem:$0x3FB2] =	sst s0  }
0x18: {  	s0 =	sld [smem:$0x3F95];
	_ =	swait.ge [sflag:s4], $0x0  }
0x19: {  	s7 =	sld [smem:$0x3F96]  }
0x1a: {  	s8 =	sadd.s32 $0xFFFFE003, lr  }
0x1b: {  	s9 =	sadd.s32 $0xFFFFFEF7, lr;
	s5 =	simm.s32 $0xFFFFFFFF;
	p2 =	slt.u32 s8, $0xFFFFF086  }
0x1c: {  	p1 =	slt.u32 s9, $0xF7A;
	s5 =	simm.s32 @!p2 $0x0  }
0x1d: {  	s5 =	simm.s32 @p1 $0x1;
	p0 =	seq.s32 s7, s2  }
0x1e: {  	s7 =	smul.u32 @!p0 $0xF7A, s2;
	p2 =	seq.s32 @!p0 s5, $0x0  }
0x1f: {  	s9 =	smul.u32 $0xF7A, s1;
	s8 =	simm.s32 @!p0 $0x1BF5;
	p2 =	por !p2, p0  }
0x20: {  	[sflag:s8] =	ssyncset.s32 @!p0 $0xFFFFF086;
	s6 =	sadd.s32 @!p0 s3, s7;
	s7 =	simm.s32 @!p0 $0x108  }
0x21: {  	s3 =	sadd.s32 s3, s9;
	s6 =	sadd.s32 @!p0 $0x88, s6;
	s7 =	simm.s32 @p2 $0x1082  }
0x22: {  	[simem:s7], [sflag:s8] =	dma.local @!p0 [hbm:s6], $0xF7A  }
0x23: {  	s9 =	sor.u32 $0xD0000000, s2;
	s6 =	simm.s32 $0x108;
	_ =	swait.ge @!p0 [sflag:s8], $0x0  }
0x24: {  	s3 =	sadd.s32 $0x88, s3;
	s6 =	simm.s32 @!p1 $0x1082;
	[sflag:s4] =	ssyncset.s32 $0xFFFFF086  }
0x25: {  	[simem:s6], [sflag:s4] =	dma.local [hbm:s3], $0xF7A  }
0x26: {  	[smem:$0x3F96] =	sst s1;
	(tag) =	ssettag s2;
	_ =	strace s9  }
0x27: {  	s1 =	sld [smem:$0x3FA6]  }
0x28: {  	s2 =	sld [smem:$0x3FA7]  }
0x29: {  	s4 =	sld [smem:$0x3FA9]  }
0x2a: {  	p0 =	seq.s32 s5, $0x0;
	s5 =	sld [smem:$0x3FAA]  }
0x2b: {  	s6 =	sld [smem:$0x3FAB]  }
0x2c: {  	s7 =	sld [smem:$0x3FAC]  }
0x2d: {  	s3 =	simm.s32 $0x108;
	s8 =	sld [smem:$0x3FAD]  }
0x2e: {  	s3 =	simm.s32 @!p0 $0x1082;
	s9 =	sld [smem:$0x3FAE]  }
0x2f: {  	lr =	sadd.s32 s0, s3;
	s0 =	sld [smem:$0x3FA5]  }
0x30: {  	s3 =	sld [smem:$0x3FA8]  }
0x31: {  	[smem:$0x3FB1] =	sst s10  }
0x32: {  	s10 =	sld [smem:$0x3FAF];
	_ =	sdelay $0x3  }
0x33: {  	p0 =	seq.s32 s10, $0x1;
	s10 =	sld [smem:$0x3FB1];
	_ =	sdelay $0x3  }
0x34: {  	[smem:$0x3FB1] =	sst s10  }
0x35: {  	s10 =	sld [smem:$0x3FB0];
	_ =	sdelay $0x3  }
0x36: {  	p1 =	seq.s32 s10, $0x1;
	s10 =	sld [smem:$0x3FB1];
	_ =	sdelay $0x3  }
0x37: {  	[smem:$0x3FB1] =	sst s10  }
0x38: {  	s10 =	sld [smem:$0x3FB2]  }
0x39: {  	_ = 	snop;
	(pc) =	sbr.ind lr, $3  }
0x3a: {  	_ = 	snop  }
0x3b: {  	_ = 	snop  }
0x3c: {  	p2 =	seq.s32 s10, $0x1;
	s10 =	sld [smem:$0x3FB1]  }
0x3d: {  	_ =	shalt  }
0x3e: {  	_ =	shalt  }
0x3f: {  	_ =	shalt  }
0x40: {  	_ =	shalt  }
0x41: {  	_ =	shalt  }
0x42: {  	_ =	shalt  }
0x43: {  	_ =	shalt  }
0x44: {  	_ =	shalt  }
0x45: {  	_ =	shalt  }
0x46: {  	_ =	shalt  }
0x47: {  	_ =	shalt  }
0x48: {  	_ =	shalt  }
0x49: {  	_ =	shalt  }
0x4a: {  	_ =	shalt  }
0x4b: {  	_ =	shalt  }
0x4c: {  	_ =	shalt  }
0x4d: {  	_ =	shalt  }
0x4e: {  	_ =	shalt  }
0x4f: {  	_ =	shalt  }
0x50: {  	_ =	shalt  }
0x51: {  	_ =	shalt  }
0x52: {  	_ =	shalt  }
0x53: {  	_ =	shalt  }
0x54: {  	_ =	shalt  }
0x55: {  	_ =	shalt  }
0x56: {  	_ =	shalt  }
0x57: {  	_ =	shalt  }
0x58: {  	_ =	shalt  }
0x59: {  	_ =	shalt  }
0x5a: {  	_ =	shalt  }
0x5b: {  	_ =	shalt  }
0x5c: {  	_ =	shalt  }
0x5d: {  	_ =	shalt  }
0x5e: {  	_ =	shalt  }
0x5f: {  	_ =	shalt  }
0x60: {  	_ =	shalt  }
0x61: {  	_ =	shalt  }
0x62: {  	_ =	shalt  }
0x63: {  	_ =	shalt  }
0x64: {  	_ =	shalt  }
0x65: {  	_ =	shalt  }
0x66: {  	_ =	shalt  }
0x67: {  	_ =	shalt  }
0x68: {  	_ =	shalt  }
0x69: {  	_ =	shalt  }
0x6a: {  	_ =	shalt  }
0x6b: {  	_ =	shalt  }
0x6c: {  	_ =	shalt  }
0x6d: {  	_ =	shalt  }
0x6e: {  	_ =	shalt  }
0x6f: {  	_ =	shalt  }
0x70: {  	_ =	shalt  }
0x71: {  	_ =	shalt  }
0x72: {  	_ =	shalt  }
0x73: {  	_ =	shalt  }
0x74: {  	_ =	shalt  }
0x75: {  	_ =	shalt  }
0x76: {  	_ =	shalt  }
0x77: {  	_ =	shalt  }
0x78: {  	_ =	shalt  }
0x79: {  	_ =	shalt  }
0x7a: {  	_ =	shalt  }
0x7b: {  	_ =	shalt  }
0x7c: {  	_ =	shalt  }
0x7d: {  	_ =	shalt  }
0x7e: {  	_ =	shalt  }
0x7f: {  	_ =	shalt  }
0x80: {  	_ =	shalt  }
0x81: {  	_ =	shalt  }
0x82: {  	_ =	shalt  }
0x83: {  	_ =	shalt  }
0x84: {  	_ =	shalt  }
0x85: {  	_ =	shalt  }
0x86: {  	_ =	shalt  }
0x87: {  	_ =	shalt  }
.Lfunc_end0:
.L_simem_size_0:
called_computation.1_lowered:
.L_overlay_start_0:
0x88: {  	s2 =	sld [smem:$0x3FD9]  }
0x89: {  	s3 =	sld [smem:$0x3FFE];
	_ =	sdelay $0x1  }
0x8a: {  	s1 =	srdreg.scid  }
0x8b: {  	s0 =	sand.u32 $0x1, s1  }
0x8c: {  	s17 =	sshll.u32 s0, $0xA;
	s2 =	sadd.s32 s3, s2  }
0x8d: {  	s2 =	sadd.s32 s2, s17  }
0x8e: {  	[smem:$0x3FBD] =	sst s2  }
0x8f: {  	_ = 	snop  }
0x90: {  	s2 =	sld [smem:$0x3FBF]  }
0x91: {  	s18 =	sld [smem:$0x3FD0];
	(tm) =	ssettm $0x1  }
0x92: {  	s4 =	sld [smem:$0x3FFB];
	_ =	sdelay $0x3  }
0x93: {  	_ =	strace s4  }
0x94: {  	s4 =	sld [smem:$0x3FFC];
	_ =	sdelay $0x3  }
0x95: {  	_ =	strace s4  }
0x96: {  	s4 =	sld [smem:$0x3FFD];
	_ =	sdelay $0x3  }
0x97: {  	_ =	strace s4  }
0x98: {  	_ =	strace $0x8FFFFFFF  }
0x99: {  	s19 =	sld [smem:$0x3FDB];
	_ =	sdelay $0x1  }
0x9a: {  	s5 =	simm.s32 $_scs_section_size  }
0x9b: {  	s6 =	simm.s32 $_size__tile_overlayer_lowered;
	s7 =	simm.s32 $_tile_overlayer_lowered  }
0x9c: {  	s22 =	simm.s32 $0x1BFF;
	s21 =	sshll.u32 s7, $0x1;
	s4 =	sadd.s32 s5, s19  }
0x9d: {  	s8 =	simm.s32 $0x0;
	s20 =	sshll.u32 s6, $0x1;
	s6 =	sadd.s32 s21, s4  }
0x9e: {  	[timem:s8], [sflag:s22] =	dma.local [hbm:s6], s20  }
0x9f: {  	_ =	swait.ge [sflag:s22], s20  }
0xa0: {  	s5 =	ssub.s32 $0x0, s20;
	[sflag:s22] =	ssyncset.done $0x0  }
0xa1: {  	[sflag:s22] =	ssyncadd.s32 s5;
	_ =	sdelay $0x1  }
0xa2: {  	s23 =	simm.s32 $0x1B8B  }
0xa3: {  	_ =	swait.ge [sflag:s23], $0x1  }
0xa4: {  	[sflag:s23] =	ssyncset.done $0x0  }
0xa5: {  	s25 =	simm.s32 $0x1B8E;
	s24 =	sld [smem:$0x3FFE];
	[sflag:s23] =	ssyncadd.s32 $0xFFFFFFFF  }
0xa6: {  	s26 =	simm.s32 $execute0_lowered;
	[smem:$0x3FD2] =	sst s25  }
0xa7: {  	s6 =	sshll.u32 s26, $0x1;
	_ =	strace $0x80000046;
	[dreg:$0x1] =	wrdreg $0xFFFFFFFF  }
0xa8: {  	s28 =	simm.s32 $_size_execute0_lowered;
	s4 =	sadd.s32 s4, s6;
	[dreg:$0x0] =	wrdreg $0x0  }
0xa9: {  	s6 =	sshll.u32 s28, $0x1;
	[dreg:$0x2] =	wrdreg s4  }
0xaa: {  	[dreg:$0x3] =	wrdreg s6  }
0xab: {  	[dreg:$0x4] =	wrdreg $0xC0  }
0xac: {  	_ =	task [dreg:s8], $0x5FFFF  }
0xad: {  	[dreg:$0x1] =	wrdreg $0xFFFFFFFF  }
0xae: {  	[dreg:$0x0] =	wrdreg $0x60  }
0xaf: {  	[dreg:$0x2] =	wrdreg s24  }
0xb0: {  	[dreg:$0x3] =	wrdreg s2  }
0xb1: {  	[dreg:$0x4] =	wrdreg s18  }
0xb2: {  	[dreg:$0x5] =	wrdreg $0xA  }
0xb3: {  	_ =	task.clear_ibuf [dreg:s8], $0x6FFFF;
	_ =	strace $0x90000046  }
0xb4: {  	s29 =	simm.s32 $0xA;
	_ =	strace $0x80000048  }
0xb5: {  	_ =	swait.ge [sflag:s29], $0x1  }
0xb6: {  	[sflag:s29] =	ssyncadd.s32 $0xFFFFFFFF  }
0xb7: {  	_ =	strace $0x90000048  }
0xb8: {  	_ =	sfence  }
0xb9: {  	s30 =	sld [smem:$0x0];
	_ =	sdelay $0x2  }
0xba: {  	s31 =	sshll.u32 s1, $0xD;
	s1 =	sshrl.u32 s1, $0x2  }
0xbb: {  	s3 =	sand.u32 $0x4000, s31;
	s1 =	sadd.s32 s1, s30  }
0xbc: {  	s0 =	sor.u32 s3, s0;
	s1 =	sshll.u32 s1, $0x11  }
0xbd: {  	s0 =	sor.u32 s1, s0  }
0xbe: {  	s0 =	sadd.s32 $0x8F2B, s0  }
0xbf: {  	[sflag:s0] =	ssyncadd.remote.s32 $0x1  }
0xc0: {  	_ =	sfence.sel $0xFFFF  }
0xc1: {  	[dreg:$0x0] =	wrdreg $0xFFFFFFFF;
	(pc) =	sbr.abs _section_cstart, $3  }
0xc2: {  	[dreg:$0x1] =	wrdreg $0xFFFFFFFF  }
0xc3: {  	_ =	task.clear_ibuf [dreg:s8], $0x2FFFF;
	_ =	strace $0x9FFFFFFF  }
0xc4: {  	(tm) =	ssettm $0x7FFFFFFF  }
0xc5: {  	_ =	shalt  }
tec
execute0_lowered:
.L_overlay_start_1:
0x0: {  	(tag) =	ssettag $0x1  }
0x1: {  	s20 =	rddreg [dreg:$0x0]  }
0x2: {  	s3 =	rddreg [dreg:$0x1]  }
0x3: {  	s21 =	rddreg [dreg:$0x2]  }
0x4: {  	s4 =	srdreg.scid;
	s1 =	stileid.u32  }
0x5: {  	s2 =	simm.s32 $0x0;
	s22 =	sand.u32 $0x1, s4;
	s30 =	sshll.u32 s1, $0x1  }
0x6: {  	[smem:$0x7FF] =	sst s2;
	s23 =	sor.u32 s22, s30  }
0x7: {  	s0 =	rddreg [dreg:$0x3];
	_ =	strace $0x80000047;
	s4 =	sshll.u32 s23, $0x3  }
0x8: {  	s5 =	smul.u32 $0x50, s23;
	s4 =	sadd.s32 s3, s4;
	s3 =	simm.s32 $0x2  }
0x9: {  	[tilespmem:s2], [sflag:$0x2] =	stream.linear.gather [hbm4b:s4+s2], $0x40, $0x38;
	[tilespmem:$0x2EC0] =	vst v63  }
0xa: {  	_ =	swait.ge [sflag:s3], $0x40  }
0xb: {  	s5 =	sadd.s32 s5, s20;
	[sflag:s3] =	ssyncset.done $0x0  }
0xc: {  	s6 =	simm.s32 $0x40;
	s5 =	sadd.s32 $0x1A00, s5;
	[sflag:s3] =	ssyncadd.s32 $0xFFFFFFC0  }
0xd: {  	[tilespmem:s6], [sflag:$0x2] =	stream.linear.gather [hbm4b:s5+s2], $0x280, $0x38;
	[tilespmem:$0x2EC0] =	vst v63  }
0xe: {  	_ =	swait.ge [sflag:s3], $0x280  }
0xf: {  	[sflag:s3] =	ssyncset.done $0x0  }
0x10: {  	s8 =	simm.s32 $0x2C0;
	s7 =	sadd.s32 $0x30F800, s20;
	[sflag:s3] =	ssyncadd.s32 $0xFFFFFD80  }
0x11: {  	[tilespmem:s8], [sflag:$0x1] =	stream.indirect.gather [hbm4b:s7+s6], $0x10, s2, s6, $0xb8;
	[tilespmem:$0x2EC0] =	vst v63  }
0x12: {  	s9 =	simm.s32 $0x80;
	s10 =	simm.s32 $0x6C0  }
0x13: {  	[tilespmem:s10], [sflag:$0x1] =	stream.indirect.gather [hbm4b:s7+s9], $0x10, s6, s9, $0xb8;
	[tilespmem:$0x2EC0] =	vst v63  }
0x14: {  	s11 =	simm.s32 $0xC0;
	s12 =	simm.s32 $0xEC0  }
0x15: {  	[tilespmem:s12], [sflag:$0x1] =	stream.indirect.gather [hbm4b:s7+s9], $0x10, s11, s9, $0xb8;
	[tilespmem:$0x2EC0] =	vst v63  }
0x16: {  	s13 =	simm.s32 $0x140;
	s14 =	simm.s32 $0x16C0  }
0x17: {  	[tilespmem:s14], [sflag:$0x1] =	stream.indirect.gather [hbm4b:s7+s9], $0x10, s13, s9, $0xb8;
	[tilespmem:$0x2EC0] =	vst v63  }
0x18: {  	s15 =	simm.s32 $0x1C0;
	s16 =	simm.s32 $0x1EC0  }
0x19: {  	[tilespmem:s16], [sflag:$0x1] =	stream.indirect.gather [hbm4b:s7+s9], $0x10, s15, s9, $0xb8;
	[tilespmem:$0x2EC0] =	vst v63  }
0x1a: {  	s17 =	simm.s32 $0x240;
	s18 =	simm.s32 $0x26C0;
	s19 =	simm.s32 $0x1  }
0x1b: {  	[tilespmem:s18], [sflag:$0x1] =	stream.indirect.gather [hbm4b:s7+s9], $0x10, s17, s9, $0xb8;
	[tilespmem:$0x2EC0] =	vst v63  }
0x1c: {  	_ =	swait.ge [sflag:s19], $0x400  }
0x1d: {  	[sflag:s19] =	ssyncset.done $0x0  }
0x1e: {  	[sflag:s19] =	ssyncadd.s32 $0xFFFFFC00  }
0x1f: {  	_ =	swait.ge [sflag:s19], $0x800  }
0x20: {  	[sflag:s19] =	ssyncset.done $0x0  }
0x21: {  	[sflag:s19] =	ssyncadd.s32 $0xFFFFF800  }
0x22: {  	_ =	swait.ge [sflag:s19], $0x800  }
0x23: {  	[sflag:s19] =	ssyncset.done $0x0  }
0x24: {  	[sflag:s19] =	ssyncadd.s32 $0xFFFFF800  }
0x25: {  	_ =	swait.ge [sflag:s19], $0x800  }
0x26: {  	[sflag:s19] =	ssyncset.done $0x0  }
0x27: {  	[sflag:s19] =	ssyncadd.s32 $0xFFFFF800  }
0x28: {  	_ =	swait.ge [sflag:s19], $0x800  }
0x29: {  	[sflag:s19] =	ssyncset.done $0x0  }
0x2a: {  	s22 =	ssub.s32 $0x2, s22;
	[sflag:s19] =	ssyncadd.s32 $0xFFFFF800  }
0x2b: {  	s24 =	sshll.u32 s23, $0x7;
	s31 =	sshrl.u32 s22, $0x1;
	_ =	swait.ge [sflag:s19], $0x800  }
0x2c: {  	s22 =	ssub.s32 s22, s31;
	s20 =	sadd.s32 s24, s20;
	[sflag:s19] =	ssyncset.done $0x0  }
0x2d: {  	s22 =	smax.u32 s22, $0x1;
	s20 =	sadd.s32 $0x188E00, s20;
	[sflag:s19] =	ssyncadd.s32 $0xFFFFF800  }
0x2e: {  	[hbm4b:s20+s2] =	stream.linear.scatter [tilespmem:s8], [sflag:$0x2], $0x400, $0x38;
	[tilespmem:$0x2EC0] =	vst v63  }
0x2f: {  	s23 =	smul.u32 $0x500, s23;
	p0 =	sne.s32 s22, $0x1;
	_ =	swait.ge [sflag:s3], $0x400  }
.Ltmp0:
0x30: {  	[sflag:s3] =	ssyncset.done $0x0;
	(pc) =	sbr.rel @!p0 .LBB2_2-.Ltmp0, $4  }
0x31: {  	s21 =	sadd.s32 s21, s23;
	[sflag:s3] =	ssyncadd.s32 $0xFFFFFC00  }
0x32: {  	[hbm4b:s21+s2] =	stream.linear.scatter [tilespmem:s10], [sflag:$0x2], $0x2800, $0x38;
	[tilespmem:$0x2EC0] =	vst v63  }
0x33: {  	_ =	swait.ge [sflag:s3], $0x2800  }
0x34: {  	s22 =	sadd.s32 $0xFFFFFFFF, s22;
	[sflag:s3] =	ssyncset.done $0x0  }
.LBB2_1:
0x35: {  	p0 =	sne.s32 s22, $0x1;
	s22 =	sadd.s32 $0xFFFFFFFF, s22;
	[sflag:s3] =	ssyncadd.s32 $0xFFFFD800  }
0x36: {  	[tilespmem:s2], [sflag:$0x2] =	stream.linear.gather [hbm4b:s4+s2], $0x40, $0x38;
	[tilespmem:$0x2EC0] =	vst v63  }
0x37: {  	_ =	swait.ge [sflag:s3], $0x40  }
0x38: {  	[sflag:s3] =	ssyncset.done $0x0  }
0x39: {  	[sflag:s3] =	ssyncadd.s32 $0xFFFFFFC0  }
0x3a: {  	[tilespmem:s6], [sflag:$0x2] =	stream.linear.gather [hbm4b:s5+s2], $0x280, $0x38;
	[tilespmem:$0x2EC0] =	vst v63  }
0x3b: {  	_ =	swait.ge [sflag:s3], $0x280  }
0x3c: {  	[sflag:s3] =	ssyncset.done $0x0  }
0x3d: {  	[sflag:s3] =	ssyncadd.s32 $0xFFFFFD80  }
0x3e: {  	[tilespmem:s8], [sflag:$0x1] =	stream.indirect.gather [hbm4b:s7+s6], $0x10, s2, s6, $0xb8;
	[tilespmem:$0x2EC0] =	vst v63  }
0x3f: {  	_ = 	snop  }
0x40: {  	[tilespmem:s10], [sflag:$0x1] =	stream.indirect.gather [hbm4b:s7+s9], $0x10, s6, s9, $0xb8;
	[tilespmem:$0x2EC0] =	vst v63  }
0x41: {  	_ = 	snop  }
0x42: {  	[tilespmem:s12], [sflag:$0x1] =	stream.indirect.gather [hbm4b:s7+s9], $0x10, s11, s9, $0xb8;
	[tilespmem:$0x2EC0] =	vst v63  }
0x43: {  	_ = 	snop  }
0x44: {  	[tilespmem:s14], [sflag:$0x1] =	stream.indirect.gather [hbm4b:s7+s9], $0x10, s13, s9, $0xb8;
	[tilespmem:$0x2EC0] =	vst v63  }
0x45: {  	_ = 	snop  }
0x46: {  	[tilespmem:s16], [sflag:$0x1] =	stream.indirect.gather [hbm4b:s7+s9], $0x10, s15, s9, $0xb8;
	[tilespmem:$0x2EC0] =	vst v63  }
0x47: {  	_ = 	snop  }
0x48: {  	[tilespmem:s18], [sflag:$0x1] =	stream.indirect.gather [hbm4b:s7+s9], $0x10, s17, s9, $0xb8;
	[tilespmem:$0x2EC0] =	vst v63  }
0x49: {  	_ =	swait.ge [sflag:s19], $0x400  }
0x4a: {  	[sflag:s19] =	ssyncset.done $0x0  }
0x4b: {  	[sflag:s19] =	ssyncadd.s32 $0xFFFFFC00  }
0x4c: {  	_ =	swait.ge [sflag:s19], $0x800  }
0x4d: {  	[sflag:s19] =	ssyncset.done $0x0  }
0x4e: {  	[sflag:s19] =	ssyncadd.s32 $0xFFFFF800  }
0x4f: {  	_ =	swait.ge [sflag:s19], $0x800  }
0x50: {  	[sflag:s19] =	ssyncset.done $0x0  }
0x51: {  	[sflag:s19] =	ssyncadd.s32 $0xFFFFF800  }
0x52: {  	_ =	swait.ge [sflag:s19], $0x800  }
0x53: {  	[sflag:s19] =	ssyncset.done $0x0  }
0x54: {  	[sflag:s19] =	ssyncadd.s32 $0xFFFFF800  }
0x55: {  	_ =	swait.ge [sflag:s19], $0x800  }
0x56: {  	[sflag:s19] =	ssyncset.done $0x0  }
0x57: {  	[sflag:s19] =	ssyncadd.s32 $0xFFFFF800  }
0x58: {  	_ =	swait.ge [sflag:s19], $0x800  }
0x59: {  	[sflag:s19] =	ssyncset.done $0x0  }
0x5a: {  	[sflag:s19] =	ssyncadd.s32 $0xFFFFF800  }
0x5b: {  	[hbm4b:s20+s2] =	stream.linear.scatter [tilespmem:s8], [sflag:$0x2], $0x400, $0x38;
	[tilespmem:$0x2EC0] =	vst v63  }
0x5c: {  	_ =	swait.ge [sflag:s3], $0x400  }
.Ltmp1:
0x5d: {  	[sflag:s3] =	ssyncset.done $0x0;
	(pc) =	sbr.rel @p0 .LBB2_1-.Ltmp1, $4  }
0x5e: {  	[sflag:s3] =	ssyncadd.s32 $0xFFFFFC00  }
0x5f: {  	[hbm4b:s21+s2] =	stream.linear.scatter [tilespmem:s10], [sflag:$0x2], $0x2800, $0x38;
	[tilespmem:$0x2EC0] =	vst v63  }
0x60: {  	_ =	swait.ge [sflag:s3], $0x2800  }
0x61: {  	[sflag:s3] =	ssyncset.done $0x0  }
.LBB2_2:
0x62: {  	[sflag:s3] =	ssyncadd.s32 $0xFFFFD800  }
0x63: {  	_ =	sfence.sel $0x180000  }
0x64: {  	[bflag:$0x0] =	sbarrier.arrive $0xFFFF  }
0x65: {  	p0 =	sne.s32 s1, $0x0;
	_ =	strace $0x90000047  }
0x66: {  	s0 =	sadd.s32 @!p0 $0x100000, s0;
	[bflag:$0x2] =	sbarrier.arrive $0xFFFF  }
0x67: {  	[sflag:s0] =	ssyncadd.tile.s32 @!p0 $0x1;
	_ =	shalt  }
.Lfunc_end2:
_tile_overlayer_lowered:
.L_overlay_start_2:
0x68: {  	(tag) =	ssettag $0x2  }
0x69: {  	s0 =	rddreg [dreg:$0x0];
	s2 =	stileid.u32  }
0x6a: {  	s1 =	rddreg [dreg:$0x1];
	p0 =	sne.s32 s2, $0x0  }
0x6b: {  	s3 =	rddreg [dreg:$0x2];
	[bflag:$0x3] =	sbarrier.arrive $0xFFFF;
	s2 =	simm.s32 @!p0 $0x1C02  }
0x6c: {  	[timem:s3], [sflag:s2] =	dma.local @!p0 [hbm:s0], s1  }
0x6d: {  	s0 =	simm.s32 @!p0 $0x2  }
0x6e: {  	_ =	swait.ge @!p0 [sflag:s0], s1  }
0x6f: {  	s1 =	ssub.s32 @!p0 $0x0, s1;
	[sflag:s0] =	ssyncset.done @!p0 $0x0  }
0x70: {  	[sflag:s0] =	ssyncadd.s32 @!p0 s1  }
0x71: {  	[bflag:$0x3] =	sbarrier.arrive $0xFFFF  }
0x72: {  	_ =	shalt  }

</sc_bundles>
